<compile_context>
chip_gen: v7x
topology: tpu7x:2x2x1
jax: 0.10.2.dev20260603
libtpu: 0.0.44.dev20260713+nightly
codegen_flags: <defaults>
</compile_context>

<pallas_src>
import functools

import jax
import jax.numpy as jnp
from jax import lax
from jax.experimental import pallas as pl
from jax.experimental.pallas import tpu as pltpu
from jax.experimental.pallas import tpu_sc as plsc


@functools.cache
def _make_edge_agg(N: int, D: int, E: int):
    info = plsc.get_sparse_core_info()
    NC, NS = info.num_cores, info.num_subcores
    NT = NC * NS
    assert E % NT == 0
    e_per = E // NT
    CH = 80
    assert e_per % CH == 0 and CH % 8 == 0
    n_ch = e_per // CH
    ZR = 80
    assert N % ZR == 0
    n_zc = N // ZR
    zc_per = -(-n_zc // NS)

    mesh = plsc.VectorSubcoreMesh(core_axis_name="c", subcore_axis_name="s")

    @functools.partial(
        pl.kernel,
        out_type=jax.ShapeDtypeStruct((NC, N, D), jnp.float32),
        mesh=mesh,
        scratch_types=[
            pltpu.VMEM((CH,), jnp.int32),
            pltpu.VMEM((CH,), jnp.int32),
            pltpu.VMEM((CH, D), jnp.float32),
            pltpu.VMEM((80, D), jnp.float32),
            pltpu.VMEM_SHARED((N, D), jnp.float32),
            pltpu.SemaphoreType.DMA,
        ],
    )
    def edge_agg(src_hbm, dst_hbm, x_hbm, out_hbm, src_v, dst_v, rows_v, zb_v, acc_sh, sem):
        cid = lax.axis_index("c")
        sid = lax.axis_index("s")
        wid = sid * NC + cid

        zero16 = jnp.zeros((16,), jnp.float32)

        @pl.loop(0, ZR)
        def _zero_zb(i):
            for j in range(D // 16):
                zb_v[i, pl.ds(j * 16, 16)] = zero16

        @pl.loop(0, zc_per)
        def _zero_acc(k):
            c = sid + k * NS

            @pl.when(c < n_zc)
            def _():
                pltpu.sync_copy(zb_v, acc_sh.at[pl.ds(c * ZR, ZR)])

        plsc.subcore_barrier()

        e0 = wid * e_per

        @pl.loop(0, n_ch)
        def _edges(j):
            base = e0 + j * CH
            pltpu.sync_copy(src_hbm.at[pl.ds(base, CH)], src_v)
            pltpu.sync_copy(dst_hbm.at[pl.ds(base, CH)], dst_v)
            pltpu.async_copy(x_hbm.at[src_v], rows_v, sem).wait()
            pltpu.sync_copy(rows_v, acc_sh.at[dst_v], add=True)

        plsc.subcore_barrier()

        @pl.loop(0, zc_per)
        def _writeout(k):
            c = sid + k * NS

            @pl.when(c < n_zc)
            def _():
                r = c * ZR
                pltpu.sync_copy(acc_sh.at[pl.ds(r, ZR)], zb_v)
                pltpu.sync_copy(zb_v, out_hbm.at[cid, pl.ds(r, ZR)])

    return edge_agg


def _tc_layer1(p, x, w_rel, b, w_root, bn: int):
    N, D = x.shape
    H = w_rel.shape[1]
    grid = N // bn

    def body(p_ref, x_ref, wrel_ref, wroot_ref, b_ref, o_ref):
        agg = p_ref[0] + p_ref[1]
        acc = jnp.dot(agg, wrel_ref[...], preferred_element_type=jnp.float32)
        acc = acc + jnp.dot(x_ref[...], wroot_ref[...], preferred_element_type=jnp.float32)
        o_ref[...] = jnp.maximum(acc + b_ref[...], 0.0)

    return pl.pallas_call(
        body,
        grid=(grid,),
        in_specs=[
            pl.BlockSpec((2, bn, D), lambda i: (0, i, 0)),
            pl.BlockSpec((bn, D), lambda i: (i, 0)),
            pl.BlockSpec((D, H), lambda i: (0, 0)),
            pl.BlockSpec((D, H), lambda i: (0, 0)),
            pl.BlockSpec((1, H), lambda i: (0, 0)),
        ],
        out_specs=pl.BlockSpec((bn, H), lambda i: (i, 0)),
        out_shape=jax.ShapeDtypeStruct((N, H), jnp.float32),
    )(p, x, w_rel, w_root, b.reshape(1, H))


def _tc_layer2_pool(q, h1, w_rel, b, w_root, batch2d, w_lin, b_lin, G: int, bn: int):
    N, H = h1.shape
    C = w_lin.shape[1]
    grid = N // bn

    def body(q_ref, h_ref, wrel_ref, wroot_ref, b_ref, batch_ref, wlin_ref, blin_ref,
             o_ref, sums_ref, cnts_ref):
        i = pl.program_id(0)

        @pl.when(i == 0)
        def _init():
            sums_ref[...] = jnp.zeros_like(sums_ref)
            cnts_ref[...] = jnp.zeros_like(cnts_ref)

        agg = q_ref[0] + q_ref[1]
        h2 = jnp.dot(agg, wrel_ref[...], preferred_element_type=jnp.float32)
        h2 = h2 + jnp.dot(h_ref[...], wroot_ref[...], preferred_element_type=jnp.float32)
        h2 = h2 + b_ref[...]

        gids = lax.broadcasted_iota(jnp.int32, (bn, G), 1)
        oh = (batch_ref[...] == gids).astype(jnp.float32)
        sums_ref[...] += lax.dot_general(
            oh, h2, (((0,), (0,)), ((), ())), preferred_element_type=jnp.float32)
        cnts_ref[...] += jnp.sum(oh, axis=0, keepdims=True)

        @pl.when(i == grid - 1)
        def _final():
            pooled = sums_ref[...] / jnp.maximum(cnts_ref[...].reshape(G, 1), 1.0)
            o_ref[...] = (
                jnp.dot(pooled, wlin_ref[...], preferred_element_type=jnp.float32)
                + blin_ref[...]
            )

    return pl.pallas_call(
        body,
        grid=(grid,),
        in_specs=[
            pl.BlockSpec((2, bn, H), lambda i: (0, i, 0)),
            pl.BlockSpec((bn, H), lambda i: (i, 0)),
            pl.BlockSpec((H, H), lambda i: (0, 0)),
            pl.BlockSpec((H, H), lambda i: (0, 0)),
            pl.BlockSpec((1, H), lambda i: (0, 0)),
            pl.BlockSpec((bn, 1), lambda i: (i, 0)),
            pl.BlockSpec((H, C), lambda i: (0, 0)),
            pl.BlockSpec((1, C), lambda i: (0, 0)),
        ],
        out_specs=pl.BlockSpec((G, C), lambda i: (0, 0)),
        out_shape=jax.ShapeDtypeStruct((G, C), jnp.float32),
        scratch_shapes=[
            pltpu.VMEM((G, H), jnp.float32),
            pltpu.VMEM((1, G), jnp.float32),
        ],
    )(q, h1, w_rel, w_root, b.reshape(1, H), batch2d, w_lin, b_lin.reshape(1, C))


def kernel(x, edge_index, edge_attr, batch, W1_rel, b1, W1_root,
           W2_rel, b2, W2_root, W_lin, b_lin):
    del edge_attr
    N, D = x.shape
    E = edge_index.shape[1]
    H = W1_rel.shape[1]
    G = 32
    C = W_lin.shape[1]
    BN = 400

    src = edge_index[0]
    dst = edge_index[1]
    batch2d = batch.reshape(N, 1)

    edge_agg = _make_edge_agg(N, D, E)
    p = edge_agg(src, dst, x)
    h1 = _tc_layer1(p, x, W1_rel, b1, W1_root, BN)
    q = edge_agg(src, dst, h1)
    return _tc_layer2_pool(q, h1, W2_rel, b2, W2_root, batch2d, W_lin, b_lin, G, BN)

# --- scband reference (transcript-rebuilt; emitter-appended) ---
"""Pipeline reference for scband-gnn-39694087750184 (READ-ONLY COPY).

The authoritative reference and input builder live on the scoring server;
editing this copy changes nothing except your own understanding.
"""

import jax, jax.numpy as jnp
import numpy as np

N = 10000
E = 320000
D = 128
H = 128
C = 10
G = 32
D_EDGE = 16


def setup_inputs(seed: int = 0) -> dict:
    key = jax.random.key(seed)
    ks = jax.random.split(key, 12)
    x = jax.random.normal(ks[0], (N, D), dtype=jnp.float32)
    edge_index = jax.random.randint(ks[1], (2, E), 0, N, dtype=jnp.int32)
    edge_attr = jax.random.normal(ks[2], (E, D_EDGE), dtype=jnp.float32)
    batch = jnp.sort(jax.random.randint(ks[3], (N,), 0, G, dtype=jnp.int32))
    s1 = 1.0 / np.sqrt(D)
    s2 = 1.0 / np.sqrt(H)
    W1_rel = jax.random.normal(ks[4], (D, H), dtype=jnp.float32) * s1
    b1 = jnp.zeros((H,), dtype=jnp.float32)
    W1_root = jax.random.normal(ks[5], (D, H), dtype=jnp.float32) * s1
    W2_rel = jax.random.normal(ks[6], (H, H), dtype=jnp.float32) * s2
    b2 = jnp.zeros((H,), dtype=jnp.float32)
    W2_root = jax.random.normal(ks[7], (H, H), dtype=jnp.float32) * s2
    W_lin = jax.random.normal(ks[8], (H, C), dtype=jnp.float32) * s2
    b_lin = jnp.zeros((C,), dtype=jnp.float32)
    return {"x": x, "edge_index": edge_index, "edge_attr": edge_attr, "batch": batch,
            "W1_rel": W1_rel, "b1": b1, "W1_root": W1_root,
            "W2_rel": W2_rel, "b2": b2, "W2_root": W2_root,
            "W_lin": W_lin, "b_lin": b_lin}


def _graph_conv(x, edge_index, W_rel, b_rel, W_root):
    # PyG GraphConv (aggr='add'): out = lin_rel(sum_{j in N(i)} x_j) + lin_root(x_i)
    src = edge_index[0]
    dst = edge_index[1]
    msgs = jnp.take(x, src, axis=0)                      # gather
    agg = jax.ops.segment_sum(msgs, dst, num_segments=N)  # scatter-add
    return agg @ W_rel + b_rel + x @ W_root


def reference(x, edge_index, edge_attr, batch, W1_rel, b1, W1_root,
              W2_rel, b2, W2_root, W_lin, b_lin):
    # edge_attr is accepted by the original forward but unused
    h = _graph_conv(x, edge_index, W1_rel, b1, W1_root)
    h = jax.nn.relu(h)
    h = _graph_conv(h, edge_index, W2_rel, b2, W2_root)
    # global_mean_pool over batch assignment
    sums = jax.ops.segment_sum(h, batch, num_segments=G)
    cnts = jax.ops.segment_sum(jnp.ones((N, 1), dtype=h.dtype), batch, num_segments=G)
    pooled = sums / jnp.maximum(cnts, 1.0)
    return pooled @ W_lin + b_lin

if __name__ == "__main__":
    import jax
    _d = setup_inputs()
    print(jax.jit(kernel)(*tuple(_d.values())))

</pallas_src>

<mosaic_0001>
#map = affine_map<(d0, d1) -> (0)>
#map1 = affine_map<(d0, d1) -> (0, 0)>
#map2 = affine_map<(d0, d1) -> (0, 0, 0)>
module attributes {stable_mosaic.version = 14 : i64} {
  func.func @edge_agg(%arg0: i32, %arg1: i32, %arg2: memref<320000xi32, #tpu.memory_space<hbm>>, %arg3: memref<320000xi32, #tpu.memory_space<hbm>>, %arg4: memref<10000x128xf32, #tpu.memory_space<hbm>>, %arg5: memref<2x10000x128xf32, #tpu.memory_space<hbm>>, %arg6: memref<80xi32, #tpu.memory_space<vmem>>, %arg7: memref<80xi32, #tpu.memory_space<vmem>>, %arg8: memref<80x128xf32, #tpu.memory_space<vmem>>, %arg9: memref<80x128xf32, #tpu.memory_space<vmem>>, %arg10: memref<10000x128xf32, #tpu.memory_space<vmem_shared>>, %arg11: memref<!tpu.dma_semaphore, #tpu.memory_space<semaphore_mem>>) attributes {dimension_semantics = [#tpu.dimension_semantics<core_parallel>, #tpu.dimension_semantics<subcore_parallel>], iteration_bounds = array<i64: 2, 16>, scalar_prefetch = 0 : i64, scratch_operands = 6 : i64, tpu.core_type = #tpu.core_type<sc_vector_subcore>, window_params = [{transform_indices = #map}, {transform_indices = #map}, {transform_indices = #map1}, {transform_indices = #map2}]} {
    %mul3A = arith.constant 2 : i32
    %mul3A_0 = arith.muli %arg1, %mul3A : i32
    %add3A = arith.addi %mul3A_0, %arg0 : i32
    %broadcast_in_dim3A = arith.constant 0.000000e+00 : f32
    %broadcast_in_dim3A_1 = vector.broadcast %broadcast_in_dim3A : f32 to vector<16xf32>
    %scan3A = arith.constant 0 : i32
    %scan3A_2 = arith.constant 80 : i32
    %scan3A_3 = arith.addi %scan3A, %scan3A_2 : i32
    %scan3A_4 = arith.constant 1 : i32
    scf.for %scan3A_24 = %scan3A to %scan3A_3 step %scan3A_4  : i32 {
      %mul3A_25 = arith.constant 1 : i32
      %mul3A_26 = arith.muli %scan3A_24, %mul3A_25 : i32
      %add3A_27 = arith.constant 0 : i32
      %add3A_28 = arith.addi %add3A_27, %mul3A_26 : i32
      %swap3A = arith.index_cast %add3A_28 : i32 to index
      %swap3A_29 = arith.constant 0 : index
      %swap3A_30 = tpu.vector_load %arg9[%swap3A, %swap3A_29] {strides = array<i32>} : memref<80x128xf32, #tpu.memory_space<vmem>>, vector<1x16xf32>,
      %swap3A_31 = vector.shape_cast %swap3A_30 : vector<1x16xf32> to vector<16xf32>
      %swap3A_32 = vector.shape_cast %broadcast_in_dim3A_1 : vector<16xf32> to vector<1x16xf32>
      tpu.vector_store %arg9[%swap3A, %swap3A_29], %swap3A_32 {strides = array<i32>} : memref<80x128xf32, #tpu.memory_space<vmem>>, vector<1x16xf32>,
      %swap3A_33 = arith.index_cast %add3A_28 : i32 to index
      %swap3A_34 = arith.constant 16 : index
      %swap3A_35 = tpu.vector_load %arg9[%swap3A_33, %swap3A_34] {strides = array<i32>} : memref<80x128xf32, #tpu.memory_space<vmem>>, vector<1x16xf32>,
      %swap3A_36 = vector.shape_cast %swap3A_35 : vector<1x16xf32> to vector<16xf32>
      %swap3A_37 = vector.shape_cast %broadcast_in_dim3A_1 : vector<16xf32> to vector<1x16xf32>
      tpu.vector_store %arg9[%swap3A_33, %swap3A_34], %swap3A_37 {strides = array<i32>} : memref<80x128xf32, #tpu.memory_space<vmem>>, vector<1x16xf32>,
      %swap3A_38 = arith.index_cast %add3A_28 : i32 to index
      %swap3A_39 = arith.constant 32 : index
      %swap3A_40 = tpu.vector_load %arg9[%swap3A_38, %swap3A_39] {strides = array<i32>} : memref<80x128xf32, #tpu.memory_space<vmem>>, vector<1x16xf32>,
      %swap3A_41 = vector.shape_cast %swap3A_40 : vector<1x16xf32> to vector<16xf32>
      %swap3A_42 = vector.shape_cast %broadcast_in_dim3A_1 : vector<16xf32> to vector<1x16xf32>
      tpu.vector_store %arg9[%swap3A_38, %swap3A_39], %swap3A_42 {strides = array<i32>} : memref<80x128xf32, #tpu.memory_space<vmem>>, vector<1x16xf32>,
      %swap3A_43 = arith.index_cast %add3A_28 : i32 to index
      %swap3A_44 = arith.constant 48 : index
      %swap3A_45 = tpu.vector_load %arg9[%swap3A_43, %swap3A_44] {strides = array<i32>} : memref<80x128xf32, #tpu.memory_space<vmem>>, vector<1x16xf32>,
      %swap3A_46 = vector.shape_cast %swap3A_45 : vector<1x16xf32> to vector<16xf32>
      %swap3A_47 = vector.shape_cast %broadcast_in_dim3A_1 : vector<16xf32> to vector<1x16xf32>
      tpu.vector_store %arg9[%swap3A_43, %swap3A_44], %swap3A_47 {strides = array<i32>} : memref<80x128xf32, #tpu.memory_space<vmem>>, vector<1x16xf32>,
      %swap3A_48 = arith.index_cast %add3A_28 : i32 to index
      %swap3A_49 = arith.constant 64 : index
      %swap3A_50 = tpu.vector_load %arg9[%swap3A_48, %swap3A_49] {strides = array<i32>} : memref<80x128xf32, #tpu.memory_space<vmem>>, vector<1x16xf32>,
      %swap3A_51 = vector.shape_cast %swap3A_50 : vector<1x16xf32> to vector<16xf32>
      %swap3A_52 = vector.shape_cast %broadcast_in_dim3A_1 : vector<16xf32> to vector<1x16xf32>
      tpu.vector_store %arg9[%swap3A_48, %swap3A_49], %swap3A_52 {strides = array<i32>} : memref<80x128xf32, #tpu.memory_space<vmem>>, vector<1x16xf32>,
      %swap3A_53 = arith.index_cast %add3A_28 : i32 to index
      %swap3A_54 = arith.constant 80 : index
      %swap3A_55 = tpu.vector_load %arg9[%swap3A_53, %swap3A_54] {strides = array<i32>} : memref<80x128xf32, #tpu.memory_space<vmem>>, vector<1x16xf32>,
      %swap3A_56 = vector.shape_cast %swap3A_55 : vector<1x16xf32> to vector<16xf32>
      %swap3A_57 = vector.shape_cast %broadcast_in_dim3A_1 : vector<16xf32> to vector<1x16xf32>
      tpu.vector_store %arg9[%swap3A_53, %swap3A_54], %swap3A_57 {strides = array<i32>} : memref<80x128xf32, #tpu.memory_space<vmem>>, vector<1x16xf32>,
      %swap3A_58 = arith.index_cast %add3A_28 : i32 to index
      %swap3A_59 = arith.constant 96 : index
      %swap3A_60 = tpu.vector_load %arg9[%swap3A_58, %swap3A_59] {strides = array<i32>} : memref<80x128xf32, #tpu.memory_space<vmem>>, vector<1x16xf32>,
      %swap3A_61 = vector.shape_cast %swap3A_60 : vector<1x16xf32> to vector<16xf32>
      %swap3A_62 = vector.shape_cast %broadcast_in_dim3A_1 : vector<16xf32> to vector<1x16xf32>
      tpu.vector_store %arg9[%swap3A_58, %swap3A_59], %swap3A_62 {strides = array<i32>} : memref<80x128xf32, #tpu.memory_space<vmem>>, vector<1x16xf32>,
      %swap3A_63 = arith.index_cast %add3A_28 : i32 to index
      %swap3A_64 = arith.constant 112 : index
      %swap3A_65 = tpu.vector_load %arg9[%swap3A_63, %swap3A_64] {strides = array<i32>} : memref<80x128xf32, #tpu.memory_space<vmem>>, vector<1x16xf32>,
      %swap3A_66 = vector.shape_cast %swap3A_65 : vector<1x16xf32> to vector<16xf32>
      %swap3A_67 = vector.shape_cast %broadcast_in_dim3A_1 : vector<16xf32> to vector<1x16xf32>
      tpu.vector_store %arg9[%swap3A_63, %swap3A_64], %swap3A_67 {strides = array<i32>} : memref<80x128xf32, #tpu.memory_space<vmem>>, vector<1x16xf32>,
    }
    %scan3A_5 = arith.constant 80 : i32
    %scan3A_6 = arith.constant 0 : i32
    %scan3A_7 = arith.constant 8 : i32
    %scan3A_8 = arith.addi %scan3A_6, %scan3A_7 : i32
    %scan3A_9 = arith.constant 1 : i32
    scf.for %scan3A_24 = %scan3A_6 to %scan3A_8 step %scan3A_9  : i32 {
      %mul3A_25 = arith.constant 1 : i32
      %mul3A_26 = arith.muli %scan3A_24, %mul3A_25 : i32
      %add3A_27 = arith.constant 0 : i32
      %add3A_28 = arith.addi %add3A_27, %mul3A_26 : i32
      %mul3A_29 = arith.constant 16 : i32
      %mul3A_30 = arith.muli %add3A_28, %mul3A_29 : i32
      %add3A_31 = arith.addi %arg1, %mul3A_30 : i32
      %lt3A = arith.constant 125 : i32
      %lt3A_32 = arith.cmpi slt, %add3A_31, %lt3A : i32
      %convert_element_type3A = arith.extui %lt3A_32 : i1 to i32
      %cond3A = arith.constant 0 : i32
      %cond3A_33 = arith.cmpi ne, %convert_element_type3A, %cond3A : i32
      scf.if %cond3A_33 {
        %mul3A_34 = arith.constant 80 : i32
        %mul3A_35 = arith.muli %add3A_31, %mul3A_34 : i32
        "tpu.region"() ({
          %run_scoped3A = tpu.sem_alloc : memref<!tpu.dma_semaphore, #tpu.memory_space<semaphore_mem>>
          %dma_start3A = arith.constant 0 : i32
          %dma_start3A_36 = tpu.memref_slice %arg10[%mul3A_35, %dma_start3A] : memref<10000x128xf32, #tpu.memory_space<vmem_shared>> -> memref<80x128xf32, #tpu.memory_space<vmem_shared>>
          %dma_start3A_37 = arith.constant 0 : i32
          %dma_start3A_38 = tpu.memref_slice %arg10[%mul3A_35, %dma_start3A_37] : memref<10000x128xf32, #tpu.memory_space<vmem_shared>> -> memref<80x128xf32, #tpu.memory_space<vmem_shared>>
          tpu.enqueue_dma source(%arg9 : memref<80x128xf32, #tpu.memory_space<vmem>>) target(%dma_start3A_38 : memref<80x128xf32, #tpu.memory_space<vmem_shared>>) target_semaphore(%run_scoped3A : memref<!tpu.dma_semaphore, #tpu.memory_space<semaphore_mem>>)
          %dma_wait3A = arith.constant 0 : i32
          %dma_wait3A_39 = tpu.memref_slice %arg10[%mul3A_35, %dma_wait3A] : memref<10000x128xf32, #tpu.memory_space<vmem_shared>> -> memref<80x128xf32, #tpu.memory_space<vmem_shared>>
          %dma_wait3A_40 = arith.constant 0 : i32
          %dma_wait3A_41 = tpu.memref_slice %arg10[%mul3A_35, %dma_wait3A_40] : memref<10000x128xf32, #tpu.memory_space<vmem_shared>> -> memref<80x128xf32, #tpu.memory_space<vmem_shared>>
          tpu.wait_dma2 semaphore(%run_scoped3A : memref<!tpu.dma_semaphore, #tpu.memory_space<semaphore_mem>>) src(%arg9 : memref<80x128xf32, #tpu.memory_space<vmem>>) dst(%dma_wait3A_41 : memref<80x128xf32, #tpu.memory_space<vmem_shared>>)
          tpu.yield
        }) : () -> ()
      } else {
      }
    }
    %scan3A_10 = arith.constant 8 : i32
    %barrier3A = arith.constant 0 : index
    tpu.barrier barrier_id(%barrier3A)
    %mul3A_11 = arith.constant 10000 : i32
    %mul3A_12 = arith.muli %add3A, %mul3A_11 : i32
    %scan3A_13 = arith.constant 0 : i32
    %scan3A_14 = arith.constant 125 : i32
    %scan3A_15 = arith.addi %scan3A_13, %scan3A_14 : i32
    %scan3A_16 = arith.constant 1 : i32
    scf.for %scan3A_24 = %scan3A_13 to %scan3A_15 step %scan3A_16  : i32 {
      %mul3A_25 = arith.constant 1 : i32
      %mul3A_26 = arith.muli %scan3A_24, %mul3A_25 : i32
      %add3A_27 = arith.constant 0 : i32
      %add3A_28 = arith.addi %add3A_27, %mul3A_26 : i32
      %mul3A_29 = arith.constant 80 : i32
      %mul3A_30 = arith.muli %add3A_28, %mul3A_29 : i32
      %add3A_31 = arith.addi %mul3A_12, %mul3A_30 : i32
      "tpu.region"() ({
        %run_scoped3A = tpu.sem_alloc : memref<!tpu.dma_semaphore, #tpu.memory_space<semaphore_mem>>
        %dma_start3A_36 = tpu.memref_slice %arg2[%add3A_31] : memref<320000xi32, #tpu.memory_space<hbm>> -> memref<80xi32, #tpu.memory_space<hbm>>
        %dma_start3A_37 = tpu.memref_slice %arg2[%add3A_31] : memref<320000xi32, #tpu.memory_space<hbm>> -> memref<80xi32, #tpu.memory_space<hbm>>
        tpu.enqueue_dma source(%dma_start3A_37 : memref<80xi32, #tpu.memory_space<hbm>>) target(%arg6 : memref<80xi32, #tpu.memory_space<vmem>>) target_semaphore(%run_scoped3A : memref<!tpu.dma_semaphore, #tpu.memory_space<semaphore_mem>>)
        %dma_wait3A_38 = tpu.memref_slice %arg2[%add3A_31] : memref<320000xi32, #tpu.memory_space<hbm>> -> memref<80xi32, #tpu.memory_space<hbm>>
        %dma_wait3A_39 = tpu.memref_slice %arg2[%add3A_31] : memref<320000xi32, #tpu.memory_space<hbm>> -> memref<80xi32, #tpu.memory_space<hbm>>
        tpu.wait_dma2 semaphore(%run_scoped3A : memref<!tpu.dma_semaphore, #tpu.memory_space<semaphore_mem>>) src(%dma_wait3A_39 : memref<80xi32, #tpu.memory_space<hbm>>) dst(%arg6 : memref<80xi32, #tpu.memory_space<vmem>>)
        tpu.yield
      }) : () -> ()
      "tpu.region"() ({
        %run_scoped3A = tpu.sem_alloc : memref<!tpu.dma_semaphore, #tpu.memory_space<semaphore_mem>>
        %dma_start3A_36 = tpu.memref_slice %arg3[%add3A_31] : memref<320000xi32, #tpu.memory_space<hbm>> -> memref<80xi32, #tpu.memory_space<hbm>>
        %dma_start3A_37 = tpu.memref_slice %arg3[%add3A_31] : memref<320000xi32, #tpu.memory_space<hbm>> -> memref<80xi32, #tpu.memory_space<hbm>>
        tpu.enqueue_dma source(%dma_start3A_37 : memref<80xi32, #tpu.memory_space<hbm>>) target(%arg7 : memref<80xi32, #tpu.memory_space<vmem>>) target_semaphore(%run_scoped3A : memref<!tpu.dma_semaphore, #tpu.memory_space<semaphore_mem>>)
        %dma_wait3A_38 = tpu.memref_slice %arg3[%add3A_31] : memref<320000xi32, #tpu.memory_space<hbm>> -> memref<80xi32, #tpu.memory_space<hbm>>
        %dma_wait3A_39 = tpu.memref_slice %arg3[%add3A_31] : memref<320000xi32, #tpu.memory_space<hbm>> -> memref<80xi32, #tpu.memory_space<hbm>>
        tpu.wait_dma2 semaphore(%run_scoped3A : memref<!tpu.dma_semaphore, #tpu.memory_space<semaphore_mem>>) src(%dma_wait3A_39 : memref<80xi32, #tpu.memory_space<hbm>>) dst(%arg7 : memref<80xi32, #tpu.memory_space<vmem>>)
        tpu.yield
      }) : () -> ()
      %dma_start3A = arith.constant 0 : i32
      %dma_start3A_32 = arith.constant 0 : i32
      %dma_start3A_33 = tpu.memref_slice %arg4[%dma_start3A, %dma_start3A_32] : memref<10000x128xf32, #tpu.memory_space<hbm>> -> memref<10000x128xf32, #tpu.memory_space<hbm>>
      tpu.enqueue_indirect_dma source(%dma_start3A_33 : memref<10000x128xf32, #tpu.memory_space<hbm>>) target(%arg8 : memref<80x128xf32, #tpu.memory_space<vmem>>) offsets(%arg6 : memref<80xi32, #tpu.memory_space<vmem>>) semaphore(%arg11 : memref<!tpu.dma_semaphore, #tpu.memory_space<semaphore_mem>>)
      %dma_wait3A = arith.constant 0 : i32
      %dma_wait3A_34 = arith.constant 0 : i32
      %dma_wait3A_35 = tpu.memref_slice %arg4[%dma_wait3A, %dma_wait3A_34] : memref<10000x128xf32, #tpu.memory_space<hbm>> -> memref<10000x128xf32, #tpu.memory_space<hbm>>
      tpu.wait_indirect_dma semaphore(%arg11 : memref<!tpu.dma_semaphore, #tpu.memory_space<semaphore_mem>>) src(%dma_wait3A_35 : memref<10000x128xf32, #tpu.memory_space<hbm>>) dst(%arg8 : memref<80x128xf32, #tpu.memory_space<vmem>>)
      "tpu.region"() ({
        %run_scoped3A = tpu.sem_alloc : memref<!tpu.dma_semaphore, #tpu.memory_space<semaphore_mem>>
        %dma_start3A_36 = arith.constant 0 : i32
        %dma_start3A_37 = arith.constant 0 : i32
        %dma_start3A_38 = tpu.memref_slice %arg10[%dma_start3A_36, %dma_start3A_37] : memref<10000x128xf32, #tpu.memory_space<vmem_shared>> -> memref<10000x128xf32, #tpu.memory_space<vmem_shared>>
        tpu.enqueue_indirect_dma source(%arg8 : memref<80x128xf32, #tpu.memory_space<vmem>>) target(%dma_start3A_38 : memref<10000x128xf32, #tpu.memory_space<vmem_shared>>) offsets(%arg7 : memref<80xi32, #tpu.memory_space<vmem>>) semaphore(%run_scoped3A : memref<!tpu.dma_semaphore, #tpu.memory_space<semaphore_mem>>) {add = true}
        %dma_wait3A_39 = arith.constant 0 : i32
        %dma_wait3A_40 = arith.constant 0 : i32
        %dma_wait3A_41 = tpu.memref_slice %arg10[%dma_wait3A_39, %dma_wait3A_40] : memref<10000x128xf32, #tpu.memory_space<vmem_shared>> -> memref<10000x128xf32, #tpu.memory_space<vmem_shared>>
        tpu.wait_indirect_dma semaphore(%run_scoped3A : memref<!tpu.dma_semaphore, #tpu.memory_space<semaphore_mem>>) src(%arg8 : memref<80x128xf32, #tpu.memory_space<vmem>>) dst(%dma_wait3A_41 : memref<10000x128xf32, #tpu.memory_space<vmem_shared>>)
        tpu.yield
      }) : () -> ()
    }
    %scan3A_17 = arith.constant 125 : i32
    %barrier3A_18 = arith.constant 0 : index
    tpu.barrier barrier_id(%barrier3A_18)
    %scan3A_19 = arith.constant 0 : i32
    %scan3A_20 = arith.constant 8 : i32
    %scan3A_21 = arith.addi %scan3A_19, %scan3A_20 : i32
    %scan3A_22 = arith.constant 1 : i32
    scf.for %scan3A_24 = %scan3A_19 to %scan3A_21 step %scan3A_22  : i32 {
      %mul3A_25 = arith.constant 1 : i32
      %mul3A_26 = arith.muli %scan3A_24, %mul3A_25 : i32
      %add3A_27 = arith.constant 0 : i32
      %add3A_28 = arith.addi %add3A_27, %mul3A_26 : i32
      %mul3A_29 = arith.constant 16 : i32
      %mul3A_30 = arith.muli %add3A_28, %mul3A_29 : i32
      %add3A_31 = arith.addi %arg1, %mul3A_30 : i32
      %lt3A = arith.constant 125 : i32
      %lt3A_32 = arith.cmpi slt, %add3A_31, %lt3A : i32
      %convert_element_type3A = arith.extui %lt3A_32 : i1 to i32
      %cond3A = arith.constant 0 : i32
      %cond3A_33 = arith.cmpi ne, %convert_element_type3A, %cond3A : i32
      scf.if %cond3A_33 {
        %mul3A_34 = arith.constant 80 : i32
        %mul3A_35 = arith.muli %add3A_31, %mul3A_34 : i32
        "tpu.region"() ({
          %run_scoped3A = tpu.sem_alloc : memref<!tpu.dma_semaphore, #tpu.memory_space<semaphore_mem>>
          %dma_start3A = arith.constant 0 : i32
          %dma_start3A_36 = tpu.memref_slice %arg10[%mul3A_35, %dma_start3A] : memref<10000x128xf32, #tpu.memory_space<vmem_shared>> -> memref<80x128xf32, #tpu.memory_space<vmem_shared>>
          %dma_start3A_37 = arith.constant 0 : i32
          %dma_start3A_38 = tpu.memref_slice %arg10[%mul3A_35, %dma_start3A_37] : memref<10000x128xf32, #tpu.memory_space<vmem_shared>> -> memref<80x128xf32, #tpu.memory_space<vmem_shared>>
          tpu.enqueue_dma source(%dma_start3A_38 : memref<80x128xf32, #tpu.memory_space<vmem_shared>>) target(%arg9 : memref<80x128xf32, #tpu.memory_space<vmem>>) target_semaphore(%run_scoped3A : memref<!tpu.dma_semaphore, #tpu.memory_space<semaphore_mem>>)
          %dma_wait3A = arith.constant 0 : i32
          %dma_wait3A_39 = tpu.memref_slice %arg10[%mul3A_35, %dma_wait3A] : memref<10000x128xf32, #tpu.memory_space<vmem_shared>> -> memref<80x128xf32, #tpu.memory_space<vmem_shared>>
          %dma_wait3A_40 = arith.constant 0 : i32
          %dma_wait3A_41 = tpu.memref_slice %arg10[%mul3A_35, %dma_wait3A_40] : memref<10000x128xf32, #tpu.memory_space<vmem_shared>> -> memref<80x128xf32, #tpu.memory_space<vmem_shared>>
          tpu.wait_dma2 semaphore(%run_scoped3A : memref<!tpu.dma_semaphore, #tpu.memory_space<semaphore_mem>>) src(%dma_wait3A_41 : memref<80x128xf32, #tpu.memory_space<vmem_shared>>) dst(%arg9 : memref<80x128xf32, #tpu.memory_space<vmem>>)
          tpu.yield
        }) : () -> ()
        "tpu.region"() ({
          %run_scoped3A = tpu.sem_alloc : memref<!tpu.dma_semaphore, #tpu.memory_space<semaphore_mem>>
          %dma_start3A = arith.constant 0 : i32
          %dma_start3A_36 = tpu.memref_slice %arg5[%arg0, %mul3A_35, %dma_start3A] : memref<2x10000x128xf32, #tpu.memory_space<hbm>> -> memref<1x80x128xf32, #tpu.memory_space<hbm>>
          %dma_start3A_37 = tpu.memref_squeeze %dma_start3A_36 : memref<1x80x128xf32, #tpu.memory_space<hbm>> -> memref<80x128xf32, #tpu.memory_space<hbm>>
          %dma_start3A_38 = arith.constant 0 : i32
          %dma_start3A_39 = tpu.memref_slice %arg5[%arg0, %mul3A_35, %dma_start3A_38] : memref<2x10000x128xf32, #tpu.memory_space<hbm>> -> memref<1x80x128xf32, #tpu.memory_space<hbm>>
          %dma_start3A_40 = tpu.memref_squeeze %dma_start3A_39 : memref<1x80x128xf32, #tpu.memory_space<hbm>> -> memref<80x128xf32, #tpu.memory_space<hbm>>
          tpu.enqueue_dma source(%arg9 : memref<80x128xf32, #tpu.memory_space<vmem>>) target(%dma_start3A_40 : memref<80x128xf32, #tpu.memory_space<hbm>>) target_semaphore(%run_scoped3A : memref<!tpu.dma_semaphore, #tpu.memory_space<semaphore_mem>>)
          %dma_wait3A = arith.constant 0 : i32
          %dma_wait3A_41 = tpu.memref_slice %arg5[%arg0, %mul3A_35, %dma_wait3A] : memref<2x10000x128xf32, #tpu.memory_space<hbm>> -> memref<1x80x128xf32, #tpu.memory_space<hbm>>
          %dma_wait3A_42 = tpu.memref_squeeze %dma_wait3A_41 : memref<1x80x128xf32, #tpu.memory_space<hbm>> -> memref<80x128xf32, #tpu.memory_space<hbm>>
          %dma_wait3A_43 = arith.constant 0 : i32
          %dma_wait3A_44 = tpu.memref_slice %arg5[%arg0, %mul3A_35, %dma_wait3A_43] : memref<2x10000x128xf32, #tpu.memory_space<hbm>> -> memref<1x80x128xf32, #tpu.memory_space<hbm>>
          %dma_wait3A_45 = tpu.memref_squeeze %dma_wait3A_44 : memref<1x80x128xf32, #tpu.memory_space<hbm>> -> memref<80x128xf32, #tpu.memory_space<hbm>>
          tpu.wait_dma2 semaphore(%run_scoped3A : memref<!tpu.dma_semaphore, #tpu.memory_space<semaphore_mem>>) src(%arg9 : memref<80x128xf32, #tpu.memory_space<vmem>>) dst(%dma_wait3A_45 : memref<80x128xf32, #tpu.memory_space<hbm>>)
          tpu.yield
        }) : () -> ()
      } else {
      }
    }
    %scan3A_23 = arith.constant 8 : i32
    return
  }
}

#map = affine_map<(d0, d1) -> (0)>
#map1 = affine_map<(d0, d1) -> (0, 0)>
#map2 = affine_map<(d0, d1) -> (0, 0, 0)>
module attributes {stable_mosaic.version = 14 : i64} {
  func.func @edge_agg(%arg0: i32, %arg1: i32, %arg2: memref<320000xi32, #tpu.memory_space<hbm>>, %arg3: memref<320000xi32, #tpu.memory_space<hbm>>, %arg4: memref<10000x128xf32, #tpu.memory_space<hbm>>, %arg5: memref<2x10000x128xf32, #tpu.memory_space<hbm>>, %arg6: memref<80xi32, #tpu.memory_space<vmem>>, %arg7: memref<80xi32, #tpu.memory_space<vmem>>, %arg8: memref<80x128xf32, #tpu.memory_space<vmem>>, %arg9: memref<80x128xf32, #tpu.memory_space<vmem>>, %arg10: memref<10000x128xf32, #tpu.memory_space<vmem_shared>>, %arg11: memref<!tpu.dma_semaphore, #tpu.memory_space<semaphore_mem>>) attributes {dimension_semantics = [#tpu.dimension_semantics<core_parallel>, #tpu.dimension_semantics<subcore_parallel>], iteration_bounds = array<i64: 2, 16>, scalar_prefetch = 0 : i64, scratch_operands = 6 : i64, tpu.core_type = #tpu.core_type<sc_vector_subcore>, window_params = [{transform_indices = #map}, {transform_indices = #map}, {transform_indices = #map1}, {transform_indices = #map2}]} {
    %mul3A = arith.constant 2 : i32
    %mul3A_0 = arith.muli %arg1, %mul3A : i32
    %add3A = arith.addi %mul3A_0, %arg0 : i32
    %broadcast_in_dim3A = arith.constant 0.000000e+00 : f32
    %broadcast_in_dim3A_1 = vector.broadcast %broadcast_in_dim3A : f32 to vector<16xf32>
    %scan3A = arith.constant 0 : i32
    %scan3A_2 = arith.constant 80 : i32
    %scan3A_3 = arith.addi %scan3A, %scan3A_2 : i32
    %scan3A_4 = arith.constant 1 : i32
    scf.for %scan3A_24 = %scan3A to %scan3A_3 step %scan3A_4  : i32 {
      %mul3A_25 = arith.constant 1 : i32
      %mul3A_26 = arith.muli %scan3A_24, %mul3A_25 : i32
      %add3A_27 = arith.constant 0 : i32
      %add3A_28 = arith.addi %add3A_27, %mul3A_26 : i32
      %swap3A = arith.index_cast %add3A_28 : i32 to index
      %swap3A_29 = arith.constant 0 : index
      %swap3A_30 = tpu.vector_load %arg9[%swap3A, %swap3A_29] {strides = array<i32>} : memref<80x128xf32, #tpu.memory_space<vmem>>, vector<1x16xf32>,
      %swap3A_31 = vector.shape_cast %swap3A_30 : vector<1x16xf32> to vector<16xf32>
      %swap3A_32 = vector.shape_cast %broadcast_in_dim3A_1 : vector<16xf32> to vector<1x16xf32>
      tpu.vector_store %arg9[%swap3A, %swap3A_29], %swap3A_32 {strides = array<i32>} : memref<80x128xf32, #tpu.memory_space<vmem>>, vector<1x16xf32>,
      %swap3A_33 = arith.index_cast %add3A_28 : i32 to index
      %swap3A_34 = arith.constant 16 : index
      %swap3A_35 = tpu.vector_load %arg9[%swap3A_33, %swap3A_34] {strides = array<i32>} : memref<80x128xf32, #tpu.memory_space<vmem>>, vector<1x16xf32>,
      %swap3A_36 = vector.shape_cast %swap3A_35 : vector<1x16xf32> to vector<16xf32>
      %swap3A_37 = vector.shape_cast %broadcast_in_dim3A_1 : vector<16xf32> to vector<1x16xf32>
      tpu.vector_store %arg9[%swap3A_33, %swap3A_34], %swap3A_37 {strides = array<i32>} : memref<80x128xf32, #tpu.memory_space<vmem>>, vector<1x16xf32>,
      %swap3A_38 = arith.index_cast %add3A_28 : i32 to index
      %swap3A_39 = arith.constant 32 : index
      %swap3A_40 = tpu.vector_load %arg9[%swap3A_38, %swap3A_39] {strides = array<i32>} : memref<80x128xf32, #tpu.memory_space<vmem>>, vector<1x16xf32>,
      %swap3A_41 = vector.shape_cast %swap3A_40 : vector<1x16xf32> to vector<16xf32>
      %swap3A_42 = vector.shape_cast %broadcast_in_dim3A_1 : vector<16xf32> to vector<1x16xf32>
      tpu.vector_store %arg9[%swap3A_38, %swap3A_39], %swap3A_42 {strides = array<i32>} : memref<80x128xf32, #tpu.memory_space<vmem>>, vector<1x16xf32>,
      %swap3A_43 = arith.index_cast %add3A_28 : i32 to index
      %swap3A_44 = arith.constant 48 : index
      %swap3A_45 = tpu.vector_load %arg9[%swap3A_43, %swap3A_44] {strides = array<i32>} : memref<80x128xf32, #tpu.memory_space<vmem>>, vector<1x16xf32>,
      %swap3A_46 = vector.shape_cast %swap3A_45 : vector<1x16xf32> to vector<16xf32>
      %swap3A_47 = vector.shape_cast %broadcast_in_dim3A_1 : vector<16xf32> to vector<1x16xf32>
      tpu.vector_store %arg9[%swap3A_43, %swap3A_44], %swap3A_47 {strides = array<i32>} : memref<80x128xf32, #tpu.memory_space<vmem>>, vector<1x16xf32>,
      %swap3A_48 = arith.index_cast %add3A_28 : i32 to index
      %swap3A_49 = arith.constant 64 : index
      %swap3A_50 = tpu.vector_load %arg9[%swap3A_48, %swap3A_49] {strides = array<i32>} : memref<80x128xf32, #tpu.memory_space<vmem>>, vector<1x16xf32>,
      %swap3A_51 = vector.shape_cast %swap3A_50 : vector<1x16xf32> to vector<16xf32>
      %swap3A_52 = vector.shape_cast %broadcast_in_dim3A_1 : vector<16xf32> to vector<1x16xf32>
      tpu.vector_store %arg9[%swap3A_48, %swap3A_49], %swap3A_52 {strides = array<i32>} : memref<80x128xf32, #tpu.memory_space<vmem>>, vector<1x16xf32>,
      %swap3A_53 = arith.index_cast %add3A_28 : i32 to index
      %swap3A_54 = arith.constant 80 : index
      %swap3A_55 = tpu.vector_load %arg9[%swap3A_53, %swap3A_54] {strides = array<i32>} : memref<80x128xf32, #tpu.memory_space<vmem>>, vector<1x16xf32>,
      %swap3A_56 = vector.shape_cast %swap3A_55 : vector<1x16xf32> to vector<16xf32>
      %swap3A_57 = vector.shape_cast %broadcast_in_dim3A_1 : vector<16xf32> to vector<1x16xf32>
      tpu.vector_store %arg9[%swap3A_53, %swap3A_54], %swap3A_57 {strides = array<i32>} : memref<80x128xf32, #tpu.memory_space<vmem>>, vector<1x16xf32>,
      %swap3A_58 = arith.index_cast %add3A_28 : i32 to index
      %swap3A_59 = arith.constant 96 : index
      %swap3A_60 = tpu.vector_load %arg9[%swap3A_58, %swap3A_59] {strides = array<i32>} : memref<80x128xf32, #tpu.memory_space<vmem>>, vector<1x16xf32>,
      %swap3A_61 = vector.shape_cast %swap3A_60 : vector<1x16xf32> to vector<16xf32>
      %swap3A_62 = vector.shape_cast %broadcast_in_dim3A_1 : vector<16xf32> to vector<1x16xf32>
      tpu.vector_store %arg9[%swap3A_58, %swap3A_59], %swap3A_62 {strides = array<i32>} : memref<80x128xf32, #tpu.memory_space<vmem>>, vector<1x16xf32>,
      %swap3A_63 = arith.index_cast %add3A_28 : i32 to index
      %swap3A_64 = arith.constant 112 : index
      %swap3A_65 = tpu.vector_load %arg9[%swap3A_63, %swap3A_64] {strides = array<i32>} : memref<80x128xf32, #tpu.memory_space<vmem>>, vector<1x16xf32>,
      %swap3A_66 = vector.shape_cast %swap3A_65 : vector<1x16xf32> to vector<16xf32>
      %swap3A_67 = vector.shape_cast %broadcast_in_dim3A_1 : vector<16xf32> to vector<1x16xf32>
      tpu.vector_store %arg9[%swap3A_63, %swap3A_64], %swap3A_67 {strides = array<i32>} : memref<80x128xf32, #tpu.memory_space<vmem>>, vector<1x16xf32>,
    }
    %scan3A_5 = arith.constant 80 : i32
    %scan3A_6 = arith.constant 0 : i32
    %scan3A_7 = arith.constant 8 : i32
    %scan3A_8 = arith.addi %scan3A_6, %scan3A_7 : i32
    %scan3A_9 = arith.constant 1 : i32
    scf.for %scan3A_24 = %scan3A_6 to %scan3A_8 step %scan3A_9  : i32 {
      %mul3A_25 = arith.constant 1 : i32
      %mul3A_26 = arith.muli %scan3A_24, %mul3A_25 : i32
      %add3A_27 = arith.constant 0 : i32
      %add3A_28 = arith.addi %add3A_27, %mul3A_26 : i32
      %mul3A_29 = arith.constant 16 : i32
      %mul3A_30 = arith.muli %add3A_28, %mul3A_29 : i32
      %add3A_31 = arith.addi %arg1, %mul3A_30 : i32
      %lt3A = arith.constant 125 : i32
      %lt3A_32 = arith.cmpi slt, %add3A_31, %lt3A : i32
      %convert_element_type3A = arith.extui %lt3A_32 : i1 to i32
      %cond3A = arith.constant 0 : i32
      %cond3A_33 = arith.cmpi ne, %convert_element_type3A, %cond3A : i32
      scf.if %cond3A_33 {
        %mul3A_34 = arith.constant 80 : i32
        %mul3A_35 = arith.muli %add3A_31, %mul3A_34 : i32
        "tpu.region"() ({
          %run_scoped3A = tpu.sem_alloc : memref<!tpu.dma_semaphore, #tpu.memory_space<semaphore_mem>>
          %dma_start3A = arith.constant 0 : i32
          %dma_start3A_36 = tpu.memref_slice %arg10[%mul3A_35, %dma_start3A] : memref<10000x128xf32, #tpu.memory_space<vmem_shared>> -> memref<80x128xf32, #tpu.memory_space<vmem_shared>>
          %dma_start3A_37 = arith.constant 0 : i32
          %dma_start3A_38 = tpu.memref_slice %arg10[%mul3A_35, %dma_start3A_37] : memref<10000x128xf32, #tpu.memory_space<vmem_shared>> -> memref<80x128xf32, #tpu.memory_space<vmem_shared>>
          tpu.enqueue_dma source(%arg9 : memref<80x128xf32, #tpu.memory_space<vmem>>) target(%dma_start3A_38 : memref<80x128xf32, #tpu.memory_space<vmem_shared>>) target_semaphore(%run_scoped3A : memref<!tpu.dma_semaphore, #tpu.memory_space<semaphore_mem>>)
          %dma_wait3A = arith.constant 0 : i32
          %dma_wait3A_39 = tpu.memref_slice %arg10[%mul3A_35, %dma_wait3A] : memref<10000x128xf32, #tpu.memory_space<vmem_shared>> -> memref<80x128xf32, #tpu.memory_space<vmem_shared>>
          %dma_wait3A_40 = arith.constant 0 : i32
          %dma_wait3A_41 = tpu.memref_slice %arg10[%mul3A_35, %dma_wait3A_40] : memref<10000x128xf32, #tpu.memory_space<vmem_shared>> -> memref<80x128xf32, #tpu.memory_space<vmem_shared>>
          tpu.wait_dma2 semaphore(%run_scoped3A : memref<!tpu.dma_semaphore, #tpu.memory_space<semaphore_mem>>) src(%arg9 : memref<80x128xf32, #tpu.memory_space<vmem>>) dst(%dma_wait3A_41 : memref<80x128xf32, #tpu.memory_space<vmem_shared>>)
          tpu.yield
        }) : () -> ()
      } else {
      }
    }
    %scan3A_10 = arith.constant 8 : i32
    %barrier3A = arith.constant 0 : index
    tpu.barrier barrier_id(%barrier3A)
    %mul3A_11 = arith.constant 10000 : i32
    %mul3A_12 = arith.muli %add3A, %mul3A_11 : i32
    %scan3A_13 = arith.constant 0 : i32
    %scan3A_14 = arith.constant 125 : i32
    %scan3A_15 = arith.addi %scan3A_13, %scan3A_14 : i32
    %scan3A_16 = arith.constant 1 : i32
    scf.for %scan3A_24 = %scan3A_13 to %scan3A_15 step %scan3A_16  : i32 {
      %mul3A_25 = arith.constant 1 : i32
      %mul3A_26 = arith.muli %scan3A_24, %mul3A_25 : i32
      %add3A_27 = arith.constant 0 : i32
      %add3A_28 = arith.addi %add3A_27, %mul3A_26 : i32
      %mul3A_29 = arith.constant 80 : i32
      %mul3A_30 = arith.muli %add3A_28, %mul3A_29 : i32
      %add3A_31 = arith.addi %mul3A_12, %mul3A_30 : i32
      "tpu.region"() ({
        %run_scoped3A = tpu.sem_alloc : memref<!tpu.dma_semaphore, #tpu.memory_space<semaphore_mem>>
        %dma_start3A_36 = tpu.memref_slice %arg2[%add3A_31] : memref<320000xi32, #tpu.memory_space<hbm>> -> memref<80xi32, #tpu.memory_space<hbm>>
        %dma_start3A_37 = tpu.memref_slice %arg2[%add3A_31] : memref<320000xi32, #tpu.memory_space<hbm>> -> memref<80xi32, #tpu.memory_space<hbm>>
        tpu.enqueue_dma source(%dma_start3A_37 : memref<80xi32, #tpu.memory_space<hbm>>) target(%arg6 : memref<80xi32, #tpu.memory_space<vmem>>) target_semaphore(%run_scoped3A : memref<!tpu.dma_semaphore, #tpu.memory_space<semaphore_mem>>)
        %dma_wait3A_38 = tpu.memref_slice %arg2[%add3A_31] : memref<320000xi32, #tpu.memory_space<hbm>> -> memref<80xi32, #tpu.memory_space<hbm>>
        %dma_wait3A_39 = tpu.memref_slice %arg2[%add3A_31] : memref<320000xi32, #tpu.memory_space<hbm>> -> memref<80xi32, #tpu.memory_space<hbm>>
        tpu.wait_dma2 semaphore(%run_scoped3A : memref<!tpu.dma_semaphore, #tpu.memory_space<semaphore_mem>>) src(%dma_wait3A_39 : memref<80xi32, #tpu.memory_space<hbm>>) dst(%arg6 : memref<80xi32, #tpu.memory_space<vmem>>)
        tpu.yield
      }) : () -> ()
      "tpu.region"() ({
        %run_scoped3A = tpu.sem_alloc : memref<!tpu.dma_semaphore, #tpu.memory_space<semaphore_mem>>
        %dma_start3A_36 = tpu.memref_slice %arg3[%add3A_31] : memref<320000xi32, #tpu.memory_space<hbm>> -> memref<80xi32, #tpu.memory_space<hbm>>
        %dma_start3A_37 = tpu.memref_slice %arg3[%add3A_31] : memref<320000xi32, #tpu.memory_space<hbm>> -> memref<80xi32, #tpu.memory_space<hbm>>
        tpu.enqueue_dma source(%dma_start3A_37 : memref<80xi32, #tpu.memory_space<hbm>>) target(%arg7 : memref<80xi32, #tpu.memory_space<vmem>>) target_semaphore(%run_scoped3A : memref<!tpu.dma_semaphore, #tpu.memory_space<semaphore_mem>>)
        %dma_wait3A_38 = tpu.memref_slice %arg3[%add3A_31] : memref<320000xi32, #tpu.memory_space<hbm>> -> memref<80xi32, #tpu.memory_space<hbm>>
        %dma_wait3A_39 = tpu.memref_slice %arg3[%add3A_31] : memref<320000xi32, #tpu.memory_space<hbm>> -> memref<80xi32, #tpu.memory_space<hbm>>
        tpu.wait_dma2 semaphore(%run_scoped3A : memref<!tpu.dma_semaphore, #tpu.memory_space<semaphore_mem>>) src(%dma_wait3A_39 : memref<80xi32, #tpu.memory_space<hbm>>) dst(%arg7 : memref<80xi32, #tpu.memory_space<vmem>>)
        tpu.yield
      }) : () -> ()
      %dma_start3A = arith.constant 0 : i32
      %dma_start3A_32 = arith.constant 0 : i32
      %dma_start3A_33 = tpu.memref_slice %arg4[%dma_start3A, %dma_start3A_32] : memref<10000x128xf32, #tpu.memory_space<hbm>> -> memref<10000x128xf32, #tpu.memory_space<hbm>>
      tpu.enqueue_indirect_dma source(%dma_start3A_33 : memref<10000x128xf32, #tpu.memory_space<hbm>>) target(%arg8 : memref<80x128xf32, #tpu.memory_space<vmem>>) offsets(%arg6 : memref<80xi32, #tpu.memory_space<vmem>>) semaphore(%arg11 : memref<!tpu.dma_semaphore, #tpu.memory_space<semaphore_mem>>)
      %dma_wait3A = arith.constant 0 : i32
      %dma_wait3A_34 = arith.constant 0 : i32
      %dma_wait3A_35 = tpu.memref_slice %arg4[%dma_wait3A, %dma_wait3A_34] : memref<10000x128xf32, #tpu.memory_space<hbm>> -> memref<10000x128xf32, #tpu.memory_space<hbm>>
      tpu.wait_indirect_dma semaphore(%arg11 : memref<!tpu.dma_semaphore, #tpu.memory_space<semaphore_mem>>) src(%dma_wait3A_35 : memref<10000x128xf32, #tpu.memory_space<hbm>>) dst(%arg8 : memref<80x128xf32, #tpu.memory_space<vmem>>)
      "tpu.region"() ({
        %run_scoped3A = tpu.sem_alloc : memref<!tpu.dma_semaphore, #tpu.memory_space<semaphore_mem>>
        %dma_start3A_36 = arith.constant 0 : i32
        %dma_start3A_37 = arith.constant 0 : i32
        %dma_start3A_38 = tpu.memref_slice %arg10[%dma_start3A_36, %dma_start3A_37] : memref<10000x128xf32, #tpu.memory_space<vmem_shared>> -> memref<10000x128xf32, #tpu.memory_space<vmem_shared>>
        tpu.enqueue_indirect_dma source(%arg8 : memref<80x128xf32, #tpu.memory_space<vmem>>) target(%dma_start3A_38 : memref<10000x128xf32, #tpu.memory_space<vmem_shared>>) offsets(%arg7 : memref<80xi32, #tpu.memory_space<vmem>>) semaphore(%run_scoped3A : memref<!tpu.dma_semaphore, #tpu.memory_space<semaphore_mem>>) {add = true}
        %dma_wait3A_39 = arith.constant 0 : i32
        %dma_wait3A_40 = arith.constant 0 : i32
        %dma_wait3A_41 = tpu.memref_slice %arg10[%dma_wait3A_39, %dma_wait3A_40] : memref<10000x128xf32, #tpu.memory_space<vmem_shared>> -> memref<10000x128xf32, #tpu.memory_space<vmem_shared>>
        tpu.wait_indirect_dma semaphore(%run_scoped3A : memref<!tpu.dma_semaphore, #tpu.memory_space<semaphore_mem>>) src(%arg8 : memref<80x128xf32, #tpu.memory_space<vmem>>) dst(%dma_wait3A_41 : memref<10000x128xf32, #tpu.memory_space<vmem_shared>>)
        tpu.yield
      }) : () -> ()
    }
    %scan3A_17 = arith.constant 125 : i32
    %barrier3A_18 = arith.constant 0 : index
    tpu.barrier barrier_id(%barrier3A_18)
    %scan3A_19 = arith.constant 0 : i32
    %scan3A_20 = arith.constant 8 : i32
    %scan3A_21 = arith.addi %scan3A_19, %scan3A_20 : i32
    %scan3A_22 = arith.constant 1 : i32
    scf.for %scan3A_24 = %scan3A_19 to %scan3A_21 step %scan3A_22  : i32 {
      %mul3A_25 = arith.constant 1 : i32
      %mul3A_26 = arith.muli %scan3A_24, %mul3A_25 : i32
      %add3A_27 = arith.constant 0 : i32
      %add3A_28 = arith.addi %add3A_27, %mul3A_26 : i32
      %mul3A_29 = arith.constant 16 : i32
      %mul3A_30 = arith.muli %add3A_28, %mul3A_29 : i32
      %add3A_31 = arith.addi %arg1, %mul3A_30 : i32
      %lt3A = arith.constant 125 : i32
      %lt3A_32 = arith.cmpi slt, %add3A_31, %lt3A : i32
      %convert_element_type3A = arith.extui %lt3A_32 : i1 to i32
      %cond3A = arith.constant 0 : i32
      %cond3A_33 = arith.cmpi ne, %convert_element_type3A, %cond3A : i32
      scf.if %cond3A_33 {
        %mul3A_34 = arith.constant 80 : i32
        %mul3A_35 = arith.muli %add3A_31, %mul3A_34 : i32
        "tpu.region"() ({
          %run_scoped3A = tpu.sem_alloc : memref<!tpu.dma_semaphore, #tpu.memory_space<semaphore_mem>>
          %dma_start3A = arith.constant 0 : i32
          %dma_start3A_36 = tpu.memref_slice %arg10[%mul3A_35, %dma_start3A] : memref<10000x128xf32, #tpu.memory_space<vmem_shared>> -> memref<80x128xf32, #tpu.memory_space<vmem_shared>>
          %dma_start3A_37 = arith.constant 0 : i32
          %dma_start3A_38 = tpu.memref_slice %arg10[%mul3A_35, %dma_start3A_37] : memref<10000x128xf32, #tpu.memory_space<vmem_shared>> -> memref<80x128xf32, #tpu.memory_space<vmem_shared>>
          tpu.enqueue_dma source(%dma_start3A_38 : memref<80x128xf32, #tpu.memory_space<vmem_shared>>) target(%arg9 : memref<80x128xf32, #tpu.memory_space<vmem>>) target_semaphore(%run_scoped3A : memref<!tpu.dma_semaphore, #tpu.memory_space<semaphore_mem>>)
          %dma_wait3A = arith.constant 0 : i32
          %dma_wait3A_39 = tpu.memref_slice %arg10[%mul3A_35, %dma_wait3A] : memref<10000x128xf32, #tpu.memory_space<vmem_shared>> -> memref<80x128xf32, #tpu.memory_space<vmem_shared>>
          %dma_wait3A_40 = arith.constant 0 : i32
          %dma_wait3A_41 = tpu.memref_slice %arg10[%mul3A_35, %dma_wait3A_40] : memref<10000x128xf32, #tpu.memory_space<vmem_shared>> -> memref<80x128xf32, #tpu.memory_space<vmem_shared>>
          tpu.wait_dma2 semaphore(%run_scoped3A : memref<!tpu.dma_semaphore, #tpu.memory_space<semaphore_mem>>) src(%dma_wait3A_41 : memref<80x128xf32, #tpu.memory_space<vmem_shared>>) dst(%arg9 : memref<80x128xf32, #tpu.memory_space<vmem>>)
          tpu.yield
        }) : () -> ()
        "tpu.region"() ({
          %run_scoped3A = tpu.sem_alloc : memref<!tpu.dma_semaphore, #tpu.memory_space<semaphore_mem>>
          %dma_start3A = arith.constant 0 : i32
          %dma_start3A_36 = tpu.memref_slice %arg5[%arg0, %mul3A_35, %dma_start3A] : memref<2x10000x128xf32, #tpu.memory_space<hbm>> -> memref<1x80x128xf32, #tpu.memory_space<hbm>>
          %dma_start3A_37 = tpu.memref_squeeze %dma_start3A_36 : memref<1x80x128xf32, #tpu.memory_space<hbm>> -> memref<80x128xf32, #tpu.memory_space<hbm>>
          %dma_start3A_38 = arith.constant 0 : i32
          %dma_start3A_39 = tpu.memref_slice %arg5[%arg0, %mul3A_35, %dma_start3A_38] : memref<2x10000x128xf32, #tpu.memory_space<hbm>> -> memref<1x80x128xf32, #tpu.memory_space<hbm>>
          %dma_start3A_40 = tpu.memref_squeeze %dma_start3A_39 : memref<1x80x128xf32, #tpu.memory_space<hbm>> -> memref<80x128xf32, #tpu.memory_space<hbm>>
          tpu.enqueue_dma source(%arg9 : memref<80x128xf32, #tpu.memory_space<vmem>>) target(%dma_start3A_40 : memref<80x128xf32, #tpu.memory_space<hbm>>) target_semaphore(%run_scoped3A : memref<!tpu.dma_semaphore, #tpu.memory_space<semaphore_mem>>)
          %dma_wait3A = arith.constant 0 : i32
          %dma_wait3A_41 = tpu.memref_slice %arg5[%arg0, %mul3A_35, %dma_wait3A] : memref<2x10000x128xf32, #tpu.memory_space<hbm>> -> memref<1x80x128xf32, #tpu.memory_space<hbm>>
          %dma_wait3A_42 = tpu.memref_squeeze %dma_wait3A_41 : memref<1x80x128xf32, #tpu.memory_space<hbm>> -> memref<80x128xf32, #tpu.memory_space<hbm>>
          %dma_wait3A_43 = arith.constant 0 : i32
          %dma_wait3A_44 = tpu.memref_slice %arg5[%arg0, %mul3A_35, %dma_wait3A_43] : memref<2x10000x128xf32, #tpu.memory_space<hbm>> -> memref<1x80x128xf32, #tpu.memory_space<hbm>>
          %dma_wait3A_45 = tpu.memref_squeeze %dma_wait3A_44 : memref<1x80x128xf32, #tpu.memory_space<hbm>> -> memref<80x128xf32, #tpu.memory_space<hbm>>
          tpu.wait_dma2 semaphore(%run_scoped3A : memref<!tpu.dma_semaphore, #tpu.memory_space<semaphore_mem>>) src(%arg9 : memref<80x128xf32, #tpu.memory_space<vmem>>) dst(%dma_wait3A_45 : memref<80x128xf32, #tpu.memory_space<hbm>>)
          tpu.yield
        }) : () -> ()
      } else {
      }
    }
    %scan3A_23 = arith.constant 8 : i32
    return
  }
}

module attributes {stable_mosaic.version = 14 : i64} {
  func.func @body(%arg0: i32, %arg1: memref<2x400x128xf32, #tpu.memory_space<vmem>>, %arg2: memref<400x128xf32, #tpu.memory_space<vmem>>, %arg3: memref<128x128xf32, #tpu.memory_space<vmem>>, %arg4: memref<128x128xf32, #tpu.memory_space<vmem>>, %arg5: memref<1x128xf32, #tpu.memory_space<vmem>>, %arg6: memref<400x128xf32, #tpu.memory_space<vmem>>) attributes {dimension_semantics = [#tpu.dimension_semantics<arbitrary>], iteration_bounds = array<i64: 25>, scalar_prefetch = 0 : i64, scratch_operands = 0 : i64, tpu.core_type = #tpu.core_type<tc>, window_params = [{transform_indices = @transform_0, window_bounds = array<i64: 2, 400, 128>}, {transform_indices = @transform_1, window_bounds = array<i64: 400, 128>}, {pipeline_mode = #tpu.pipeline_mode<synchronous>, transform_indices = @transform_2, window_bounds = array<i64: 128, 128>}, {pipeline_mode = #tpu.pipeline_mode<synchronous>, transform_indices = @transform_3, window_bounds = array<i64: 128, 128>}, {pipeline_mode = #tpu.pipeline_mode<synchronous>, transform_indices = @transform_4, window_bounds = array<i64: 1, 128>}, {transform_indices = @transform_5, window_bounds = array<i64: 400, 128>}]} {
    %get3A = arith.constant 0 : index
    %get3A_0 = arith.constant 0 : index
    %get3A_1 = arith.constant 0 : index
    %get3A_2 = vector.load %arg1[%get3A, %get3A_0, %get3A_1] : memref<2x400x128xf32, #tpu.memory_space<vmem>>, vector<1x400x128xf32>
    %get3A_3 = vector.shape_cast %get3A_2 : vector<1x400x128xf32> to vector<400x128xf32>
    %get3A_4 = arith.constant 1 : index
    %get3A_5 = arith.constant 0 : index
    %get3A_6 = arith.constant 0 : index
    %get3A_7 = vector.load %arg1[%get3A_4, %get3A_5, %get3A_6] : memref<2x400x128xf32, #tpu.memory_space<vmem>>, vector<1x400x128xf32>
    %get3A_8 = vector.shape_cast %get3A_7 : vector<1x400x128xf32> to vector<400x128xf32>
    %add3A = arith.addf %get3A_3, %get3A_8 : vector<400x128xf32>
    %get3A_9 = arith.constant 0 : index
    %get3A_10 = arith.constant 0 : index
    %get3A_11 = vector.load %arg3[%get3A_9, %get3A_10] : memref<128x128xf32, #tpu.memory_space<vmem>>, vector<128x128xf32>
    %dot_general3A = arith.constant dense<0.000000e+00> : vector<400x128xf32>
    %dot_general3A_12 = tpu.matmul %add3A, %get3A_11, %dot_general3A {dimension_numbers = #tpu.dot_dimension_numbers<[1], [0], [0], [1], [0, 0, 1, 1], [], []>, transpose_lhs_hint = false} : vector<400x128xf32>, vector<128x128xf32>, vector<400x128xf32> -> vector<400x128xf32>
    %get3A_13 = arith.constant 0 : index
    %get3A_14 = arith.constant 0 : index
    %get3A_15 = vector.load %arg2[%get3A_13, %get3A_14] : memref<400x128xf32, #tpu.memory_space<vmem>>, vector<400x128xf32>
    %get3A_16 = arith.constant 0 : index
    %get3A_17 = arith.constant 0 : index
    %get3A_18 = vector.load %arg4[%get3A_16, %get3A_17] : memref<128x128xf32, #tpu.memory_space<vmem>>, vector<128x128xf32>
    %dot_general3A_19 = arith.constant dense<0.000000e+00> : vector<400x128xf32>
    %dot_general3A_20 = tpu.matmul %get3A_15, %get3A_18, %dot_general3A_19 {dimension_numbers = #tpu.dot_dimension_numbers<[1], [0], [0], [1], [0, 0, 1, 1], [], []>, transpose_lhs_hint = false} : vector<400x128xf32>, vector<128x128xf32>, vector<400x128xf32> -> vector<400x128xf32>
    %add3A_21 = arith.addf %dot_general3A_12, %dot_general3A_20 : vector<400x128xf32>
    %get3A_22 = arith.constant 0 : index
    %get3A_23 = arith.constant 0 : index
    %get3A_24 = vector.load %arg5[%get3A_22, %get3A_23] : memref<1x128xf32, #tpu.memory_space<vmem>>, vector<1x128xf32>
    %add3A_25 = vector.broadcast %get3A_24 : vector<1x128xf32> to vector<400x128xf32>
    %add3A_26 = arith.addf %add3A_21, %add3A_25 : vector<400x128xf32>
    %max3A = arith.constant 0.000000e+00 : f32
    %max3A_27 = vector.broadcast %max3A : f32 to vector<400x128xf32>
    %max3A_28 = arith.maximumf %add3A_26, %max3A_27 : vector<400x128xf32>
    %swap3A = arith.constant 0 : index
    %swap3A_29 = arith.constant 0 : index
    %swap3A_30 = vector.load %arg6[%swap3A, %swap3A_29] : memref<400x128xf32, #tpu.memory_space<vmem>>, vector<400x128xf32>
    tpu.vector_store %arg6[%swap3A, %swap3A_29], %max3A_28 {strides = array<i32>} : memref<400x128xf32, #tpu.memory_space<vmem>>, vector<400x128xf32>,
    return
  }
  func.func @transform_0(%arg0: i32) -> (i32, i32, i32) {
    %c0_i32 = arith.constant 0 : i32
    %c0_i32_0 = arith.constant 0 : i32
    %c0_i32_1 = arith.constant 0 : i32
    return %c0_i32, %arg0, %c0_i32_0 : i32, i32, i32
  }
  func.func @transform_1(%arg0: i32) -> (i32, i32) {
    %c0_i32 = arith.constant 0 : i32
    %c0_i32_0 = arith.constant 0 : i32
    return %arg0, %c0_i32 : i32, i32
  }
  func.func @transform_2(%arg0: i32) -> (i32, i32) {
    %c0_i32 = arith.constant 0 : i32
    %c0_i32_0 = arith.constant 0 : i32
    %c0_i32_1 = arith.constant 0 : i32
    return %c0_i32, %c0_i32_0 : i32, i32
  }
  func.func @transform_3(%arg0: i32) -> (i32, i32) {
    %c0_i32 = arith.constant 0 : i32
    %c0_i32_0 = arith.constant 0 : i32
    %c0_i32_1 = arith.constant 0 : i32
    return %c0_i32, %c0_i32_0 : i32, i32
  }
  func.func @transform_4(%arg0: i32) -> (i32, i32) {
    %c0_i32 = arith.constant 0 : i32
    %c0_i32_0 = arith.constant 0 : i32
    %c0_i32_1 = arith.constant 0 : i32
    return %c0_i32, %c0_i32_0 : i32, i32
  }
  func.func @transform_5(%arg0: i32) -> (i32, i32) {
    %c0_i32 = arith.constant 0 : i32
    %c0_i32_0 = arith.constant 0 : i32
    return %arg0, %c0_i32 : i32, i32
  }
}

module attributes {stable_mosaic.version = 14 : i64} {
  func.func @body(%arg0: i32, %arg1: memref<2x400x128xf32, #tpu.memory_space<vmem>>, %arg2: memref<400x128xf32, #tpu.memory_space<vmem>>, %arg3: memref<128x128xf32, #tpu.memory_space<vmem>>, %arg4: memref<128x128xf32, #tpu.memory_space<vmem>>, %arg5: memref<1x128xf32, #tpu.memory_space<vmem>>, %arg6: memref<400x1xi32, #tpu.memory_space<vmem>>, %arg7: memref<128x10xf32, #tpu.memory_space<vmem>>, %arg8: memref<1x10xf32, #tpu.memory_space<vmem>>, %arg9: memref<32x10xf32, #tpu.memory_space<vmem>>, %arg10: memref<32x128xf32, #tpu.memory_space<vmem>>, %arg11: memref<1x32xf32, #tpu.memory_space<vmem>>) attributes {dimension_semantics = [#tpu.dimension_semantics<arbitrary>], iteration_bounds = array<i64: 25>, scalar_prefetch = 0 : i64, scratch_operands = 2 : i64, tpu.core_type = #tpu.core_type<tc>, window_params = [{transform_indices = @transform_0, window_bounds = array<i64: 2, 400, 128>}, {transform_indices = @transform_1, window_bounds = array<i64: 400, 128>}, {pipeline_mode = #tpu.pipeline_mode<synchronous>, transform_indices = @transform_2, window_bounds = array<i64: 128, 128>}, {pipeline_mode = #tpu.pipeline_mode<synchronous>, transform_indices = @transform_3, window_bounds = array<i64: 128, 128>}, {pipeline_mode = #tpu.pipeline_mode<synchronous>, transform_indices = @transform_4, window_bounds = array<i64: 1, 128>}, {transform_indices = @transform_5, window_bounds = array<i64: 400, 1>}, {pipeline_mode = #tpu.pipeline_mode<synchronous>, transform_indices = @transform_6, window_bounds = array<i64: 128, 10>}, {pipeline_mode = #tpu.pipeline_mode<synchronous>, transform_indices = @transform_7, window_bounds = array<i64: 1, 10>}, {pipeline_mode = #tpu.pipeline_mode<synchronous>, transform_indices = @transform_8, window_bounds = array<i64: 32, 10>}]} {
    %eq3A = arith.constant 0 : i32
    %eq3A_0 = arith.cmpi eq, %arg0, %eq3A : i32
    %convert_element_type3A = arith.extui %eq3A_0 : i1 to i32
    %cond3A = arith.constant 0 : i32
    %cond3A_1 = arith.cmpi ne, %convert_element_type3A, %cond3A : i32
    scf.if %cond3A_1 {
      %broadcast_in_dim3A_57 = arith.constant 0.000000e+00 : f32
      %broadcast_in_dim3A_58 = vector.broadcast %broadcast_in_dim3A_57 : f32 to vector<32x128xf32>
      %swap3A_59 = arith.constant 0 : index
      %swap3A_60 = arith.constant 0 : index
      %swap3A_61 = vector.load %arg10[%swap3A_59, %swap3A_60] : memref<32x128xf32, #tpu.memory_space<vmem>>, vector<32x128xf32>
      tpu.vector_store %arg10[%swap3A_59, %swap3A_60], %broadcast_in_dim3A_58 {strides = array<i32>} : memref<32x128xf32, #tpu.memory_space<vmem>>, vector<32x128xf32>,
      %broadcast_in_dim3A_62 = arith.constant 0.000000e+00 : f32
      %broadcast_in_dim3A_63 = vector.broadcast %broadcast_in_dim3A_62 : f32 to vector<1x32xf32>
      %swap3A_64 = arith.constant 0 : index
      %swap3A_65 = arith.constant 0 : index
      %swap3A_66 = vector.load %arg11[%swap3A_64, %swap3A_65] : memref<1x32xf32, #tpu.memory_space<vmem>>, vector<1x32xf32>
      tpu.vector_store %arg11[%swap3A_64, %swap3A_65], %broadcast_in_dim3A_63 {strides = array<i32>} : memref<1x32xf32, #tpu.memory_space<vmem>>, vector<1x32xf32>,
    } else {
    }
    %get3A = arith.constant 0 : index
    %get3A_2 = arith.constant 0 : index
    %get3A_3 = arith.constant 0 : index
    %get3A_4 = vector.load %arg1[%get3A, %get3A_2, %get3A_3] : memref<2x400x128xf32, #tpu.memory_space<vmem>>, vector<1x400x128xf32>
    %get3A_5 = vector.shape_cast %get3A_4 : vector<1x400x128xf32> to vector<400x128xf32>
    %get3A_6 = arith.constant 1 : index
    %get3A_7 = arith.constant 0 : index
    %get3A_8 = arith.constant 0 : index
    %get3A_9 = vector.load %arg1[%get3A_6, %get3A_7, %get3A_8] : memref<2x400x128xf32, #tpu.memory_space<vmem>>, vector<1x400x128xf32>
    %get3A_10 = vector.shape_cast %get3A_9 : vector<1x400x128xf32> to vector<400x128xf32>
    %add3A = arith.addf %get3A_5, %get3A_10 : vector<400x128xf32>
    %get3A_11 = arith.constant 0 : index
    %get3A_12 = arith.constant 0 : index
    %get3A_13 = vector.load %arg3[%get3A_11, %get3A_12] : memref<128x128xf32, #tpu.memory_space<vmem>>, vector<128x128xf32>
    %dot_general3A = arith.constant dense<0.000000e+00> : vector<400x128xf32>
    %dot_general3A_14 = tpu.matmul %add3A, %get3A_13, %dot_general3A {dimension_numbers = #tpu.dot_dimension_numbers<[1], [0], [0], [1], [0, 0, 1, 1], [], []>, transpose_lhs_hint = false} : vector<400x128xf32>, vector<128x128xf32>, vector<400x128xf32> -> vector<400x128xf32>
    %get3A_15 = arith.constant 0 : index
    %get3A_16 = arith.constant 0 : index
    %get3A_17 = vector.load %arg2[%get3A_15, %get3A_16] : memref<400x128xf32, #tpu.memory_space<vmem>>, vector<400x128xf32>
    %get3A_18 = arith.constant 0 : index
    %get3A_19 = arith.constant 0 : index
    %get3A_20 = vector.load %arg4[%get3A_18, %get3A_19] : memref<128x128xf32, #tpu.memory_space<vmem>>, vector<128x128xf32>
    %dot_general3A_21 = arith.constant dense<0.000000e+00> : vector<400x128xf32>
    %dot_general3A_22 = tpu.matmul %get3A_17, %get3A_20, %dot_general3A_21 {dimension_numbers = #tpu.dot_dimension_numbers<[1], [0], [0], [1], [0, 0, 1, 1], [], []>, transpose_lhs_hint = false} : vector<400x128xf32>, vector<128x128xf32>, vector<400x128xf32> -> vector<400x128xf32>
    %add3A_23 = arith.addf %dot_general3A_14, %dot_general3A_22 : vector<400x128xf32>
    %get3A_24 = arith.constant 0 : index
    %get3A_25 = arith.constant 0 : index
    %get3A_26 = vector.load %arg5[%get3A_24, %get3A_25] : memref<1x128xf32, #tpu.memory_space<vmem>>, vector<1x128xf32>
    %add3A_27 = vector.broadcast %get3A_26 : vector<1x128xf32> to vector<400x128xf32>
    %add3A_28 = arith.addf %add3A_23, %add3A_27 : vector<400x128xf32>
    %iota3A = tpu.iota {dimensions = array<i32: 1>} : vector<400x32xi32>
    %get3A_29 = arith.constant 0 : index
    %get3A_30 = arith.constant 0 : index
    %get3A_31 = vector.load %arg6[%get3A_29, %get3A_30] : memref<400x1xi32, #tpu.memory_space<vmem>>, vector<400x1xi32>
    %eq3A_32 = vector.broadcast %get3A_31 : vector<400x1xi32> to vector<400x32xi32>
    %eq3A_33 = arith.cmpi eq, %eq3A_32, %iota3A : vector<400x32xi32>
    %convert_element_type3A_34 = arith.extui %eq3A_33 : vector<400x32xi1> to vector<400x32xi32>
    %convert_element_type3A_35 = arith.sitofp %convert_element_type3A_34 : vector<400x32xi32> to vector<400x32xf32>
    %get3A_36 = arith.constant 0 : index
    %get3A_37 = arith.constant 0 : index
    %get3A_38 = vector.load %arg10[%get3A_36, %get3A_37] : memref<32x128xf32, #tpu.memory_space<vmem>>, vector<32x128xf32>
    %dot_general3A_39 = arith.constant dense<0.000000e+00> : vector<32x128xf32>
    %dot_general3A_40 = tpu.matmul %convert_element_type3A_35, %add3A_28, %dot_general3A_39 {dimension_numbers = #tpu.dot_dimension_numbers<[0], [0], [1], [1], [0, 1, 1, 1], [], []>, transpose_lhs_hint = false} : vector<400x32xf32>, vector<400x128xf32>, vector<32x128xf32> -> vector<32x128xf32>
    %add3A_41 = arith.addf %get3A_38, %dot_general3A_40 : vector<32x128xf32>
    %swap3A = arith.constant 0 : index
    %swap3A_42 = arith.constant 0 : index
    %swap3A_43 = vector.load %arg10[%swap3A, %swap3A_42] : memref<32x128xf32, #tpu.memory_space<vmem>>, vector<32x128xf32>
    tpu.vector_store %arg10[%swap3A, %swap3A_42], %add3A_41 {strides = array<i32>} : memref<32x128xf32, #tpu.memory_space<vmem>>, vector<32x128xf32>,
    %get3A_44 = arith.constant 0 : index
    %get3A_45 = arith.constant 0 : index
    %get3A_46 = vector.load %arg11[%get3A_44, %get3A_45] : memref<1x32xf32, #tpu.memory_space<vmem>>, vector<1x32xf32>
    %reduce_sum3A = arith.constant dense<0.000000e+00> : vector<32xf32>
    %reduce_sum3A_47 = vector.multi_reduction <add>, %convert_element_type3A_35, %reduce_sum3A [0] : vector<400x32xf32> to vector<32xf32>
    %broadcast_in_dim3A = vector.shape_cast %reduce_sum3A_47 : vector<32xf32> to vector<1x32xf32>
    %add3A_48 = arith.addf %get3A_46, %broadcast_in_dim3A : vector<1x32xf32>
    %swap3A_49 = arith.constant 0 : index
    %swap3A_50 = arith.constant 0 : index
    %swap3A_51 = vector.load %arg11[%swap3A_49, %swap3A_50] : memref<1x32xf32, #tpu.memory_space<vmem>>, vector<1x32xf32>
    tpu.vector_store %arg11[%swap3A_49, %swap3A_50], %add3A_48 {strides = array<i32>} : memref<1x32xf32, #tpu.memory_space<vmem>>, vector<1x32xf32>,
    %eq3A_52 = arith.constant 24 : i32
    %eq3A_53 = arith.cmpi eq, %arg0, %eq3A_52 : i32
    %convert_element_type3A_54 = arith.extui %eq3A_53 : i1 to i32
    %cond3A_55 = arith.constant 0 : i32
    %cond3A_56 = arith.cmpi ne, %convert_element_type3A_54, %cond3A_55 : i32
    scf.if %cond3A_56 {
      %get3A_57 = arith.constant 0 : index
      %get3A_58 = arith.constant 0 : index
      %get3A_59 = vector.load %arg10[%get3A_57, %get3A_58] : memref<32x128xf32, #tpu.memory_space<vmem>>, vector<32x128xf32>
      %get3A_60 = arith.constant 0 : index
      %get3A_61 = arith.constant 0 : index
      %get3A_62 = vector.load %arg11[%get3A_60, %get3A_61] : memref<1x32xf32, #tpu.memory_space<vmem>>, vector<1x32xf32>
      %reshape3A = vector.shape_cast %get3A_62 : vector<1x32xf32> to vector<32x1xf32>
      %max3A = arith.constant 1.000000e+00 : f32
      %max3A_63 = vector.broadcast %max3A : f32 to vector<32x1xf32>
      %max3A_64 = arith.maximumf %reshape3A, %max3A_63 : vector<32x1xf32>
      %div3A = vector.broadcast %max3A_64 : vector<32x1xf32> to vector<32x128xf32>
      %div3A_65 = arith.divf %get3A_59, %div3A : vector<32x128xf32>
      %get3A_66 = arith.constant 0 : index
      %get3A_67 = arith.constant 0 : index
      %get3A_68 = vector.load %arg7[%get3A_66, %get3A_67] : memref<128x10xf32, #tpu.memory_space<vmem>>, vector<128x10xf32>
      %dot_general3A_69 = arith.constant dense<0.000000e+00> : vector<32x10xf32>
      %dot_general3A_70 = tpu.matmul %div3A_65, %get3A_68, %dot_general3A_69 {dimension_numbers = #tpu.dot_dimension_numbers<[1], [0], [0], [1], [0, 0, 1, 1], [], []>, transpose_lhs_hint = false} : vector<32x128xf32>, vector<128x10xf32>, vector<32x10xf32> -> vector<32x10xf32>
      %get3A_71 = arith.constant 0 : index
      %get3A_72 = arith.constant 0 : index
      %get3A_73 = vector.load %arg8[%get3A_71, %get3A_72] : memref<1x10xf32, #tpu.memory_space<vmem>>, vector<1x10xf32>
      %add3A_74 = vector.broadcast %get3A_73 : vector<1x10xf32> to vector<32x10xf32>
      %add3A_75 = arith.addf %dot_general3A_70, %add3A_74 : vector<32x10xf32>
      %swap3A_76 = arith.constant 0 : index
      %swap3A_77 = arith.constant 0 : index
      %swap3A_78 = vector.load %arg9[%swap3A_76, %swap3A_77] : memref<32x10xf32, #tpu.memory_space<vmem>>, vector<32x10xf32>
      tpu.vector_store %arg9[%swap3A_76, %swap3A_77], %add3A_75 {strides = array<i32>} : memref<32x10xf32, #tpu.memory_space<vmem>>, vector<32x10xf32>,
    } else {
    }
    return
  }
  func.func @transform_0(%arg0: i32) -> (i32, i32, i32) {
    %c0_i32 = arith.constant 0 : i32
    %c0_i32_0 = arith.constant 0 : i32
    %c0_i32_1 = arith.constant 0 : i32
    return %c0_i32, %arg0, %c0_i32_0 : i32, i32, i32
  }
  func.func @transform_1(%arg0: i32) -> (i32, i32) {
    %c0_i32 = arith.constant 0 : i32
    %c0_i32_0 = arith.constant 0 : i32
    return %arg0, %c0_i32 : i32, i32
  }
  func.func @transform_2(%arg0: i32) -> (i32, i32) {
    %c0_i32 = arith.constant 0 : i32
    %c0_i32_0 = arith.constant 0 : i32
    %c0_i32_1 = arith.constant 0 : i32
    return %c0_i32, %c0_i32_0 : i32, i32
  }
  func.func @transform_3(%arg0: i32) -> (i32, i32) {
    %c0_i32 = arith.constant 0 : i32
    %c0_i32_0 = arith.constant 0 : i32
    %c0_i32_1 = arith.constant 0 : i32
    return %c0_i32, %c0_i32_0 : i32, i32
  }
  func.func @transform_4(%arg0: i32) -> (i32, i32) {
    %c0_i32 = arith.constant 0 : i32
    %c0_i32_0 = arith.constant 0 : i32
    %c0_i32_1 = arith.constant 0 : i32
    return %c0_i32, %c0_i32_0 : i32, i32
  }
  func.func @transform_5(%arg0: i32) -> (i32, i32) {
    %c0_i32 = arith.constant 0 : i32
    %c0_i32_0 = arith.constant 0 : i32
    return %arg0, %c0_i32 : i32, i32
  }
  func.func @transform_6(%arg0: i32) -> (i32, i32) {
    %c0_i32 = arith.constant 0 : i32
    %c0_i32_0 = arith.constant 0 : i32
    %c0_i32_1 = arith.constant 0 : i32
    return %c0_i32, %c0_i32_0 : i32, i32
  }
  func.func @transform_7(%arg0: i32) -> (i32, i32) {
    %c0_i32 = arith.constant 0 : i32
    %c0_i32_0 = arith.constant 0 : i32
    %c0_i32_1 = arith.constant 0 : i32
    return %c0_i32, %c0_i32_0 : i32, i32
  }
  func.func @transform_8(%arg0: i32) -> (i32, i32) {
    %c0_i32 = arith.constant 0 : i32
    %c0_i32_0 = arith.constant 0 : i32
    %c0_i32_1 = arith.constant 0 : i32
    return %c0_i32, %c0_i32_0 : i32, i32
  }
}

</mosaic_0001>

<sc_bundles>
// kernel: kernel.6.cloned.1.call-start
scs
__scs_entry_jumppad:
0x0: {  	(pc) =	sbr.rel $0x88, $3  }
0x1: {  	(tag) =	ssettag $0x0;
	lr =	simm.s32 $0x1  }
0x2: {  	[smem:$0x3F96] =	sst lr;
	_ =	strace $0xD0000000  }
0x3: {  	_ = 	snop  }
0x4: {  	_ = 	snop  }
0x5: {  	_ = 	snop  }
0x6: {  	_ = 	snop  }
0x7: {  	_ = 	snop  }
__scs_overlays_trampoline_lowered:
0x8: {  	[smem:$0x3FA5] =	sst s0  }
0x9: {  	[smem:$0x3FA6] =	sst s1  }
0xa: {  	[smem:$0x3FA7] =	sst s2  }
0xb: {  	[smem:$0x3FA8] =	sst s3  }
0xc: {  	[smem:$0x3FA9] =	sst s4  }
0xd: {  	[smem:$0x3FAA] =	sst s5  }
0xe: {  	[smem:$0x3FAB] =	sst s6  }
0xf: {  	[smem:$0x3FAC] =	sst s7  }
0x10: {  	[smem:$0x3FAD] =	sst s8  }
0x11: {  	[smem:$0x3FAE] =	sst s9;
	s0 =	simm.s32 @!p0 $0x0  }
0x12: {  	s1 =	sld [smem:$0x3F94];
	s0 =	simm.s32 @p0 $0x1  }
0x13: {  	[smem:$0x3FAF] =	sst s0;
	s0 =	simm.s32 @!p1 $0x0  }
0x14: {  	s2 =	sld [smem:$0x3F93];
	s0 =	simm.s32 @p1 $0x1  }
0x15: {  	[smem:$0x3FB0] =	sst s0;
	s0 =	simm.s32 @!p2 $0x0  }
0x16: {  	s3 =	sld [smem:$0x3FDB];
	s0 =	simm.s32 @p2 $0x1  }
0x17: {  	s4 =	simm.s32 $0x1BF5;
	[smem:$0x3FB2] =	sst s0  }
0x18: {  	s0 =	sld [smem:$0x3F95];
	_ =	swait.ge [sflag:s4], $0x0  }
0x19: {  	s7 =	sld [smem:$0x3F96]  }
0x1a: {  	s8 =	sadd.s32 $0xFFFFE003, lr  }
0x1b: {  	s9 =	sadd.s32 $0xFFFFFEF7, lr;
	s5 =	simm.s32 $0xFFFFFFFF;
	p2 =	slt.u32 s8, $0xFFFFF086  }
0x1c: {  	p1 =	slt.u32 s9, $0xF7A;
	s5 =	simm.s32 @!p2 $0x0  }
0x1d: {  	s5 =	simm.s32 @p1 $0x1;
	p0 =	seq.s32 s7, s2  }
0x1e: {  	s7 =	smul.u32 @!p0 $0xF7A, s2;
	p2 =	seq.s32 @!p0 s5, $0x0  }
0x1f: {  	s9 =	smul.u32 $0xF7A, s1;
	s8 =	simm.s32 @!p0 $0x1BF5;
	p2 =	por !p2, p0  }
0x20: {  	[sflag:s8] =	ssyncset.s32 @!p0 $0xFFFFF086;
	s6 =	sadd.s32 @!p0 s3, s7;
	s7 =	simm.s32 @!p0 $0x108  }
0x21: {  	s3 =	sadd.s32 s3, s9;
	s6 =	sadd.s32 @!p0 $0x88, s6;
	s7 =	simm.s32 @p2 $0x1082  }
0x22: {  	[simem:s7], [sflag:s8] =	dma.local @!p0 [hbm:s6], $0xF7A  }
0x23: {  	s9 =	sor.u32 $0xD0000000, s2;
	s6 =	simm.s32 $0x108;
	_ =	swait.ge @!p0 [sflag:s8], $0x0  }
0x24: {  	s3 =	sadd.s32 $0x88, s3;
	s6 =	simm.s32 @!p1 $0x1082;
	[sflag:s4] =	ssyncset.s32 $0xFFFFF086  }
0x25: {  	[simem:s6], [sflag:s4] =	dma.local [hbm:s3], $0xF7A  }
0x26: {  	[smem:$0x3F96] =	sst s1;
	(tag) =	ssettag s2;
	_ =	strace s9  }
0x27: {  	s1 =	sld [smem:$0x3FA6]  }
0x28: {  	s2 =	sld [smem:$0x3FA7]  }
0x29: {  	s4 =	sld [smem:$0x3FA9]  }
0x2a: {  	p0 =	seq.s32 s5, $0x0;
	s5 =	sld [smem:$0x3FAA]  }
0x2b: {  	s6 =	sld [smem:$0x3FAB]  }
0x2c: {  	s7 =	sld [smem:$0x3FAC]  }
0x2d: {  	s3 =	simm.s32 $0x108;
	s8 =	sld [smem:$0x3FAD]  }
0x2e: {  	s3 =	simm.s32 @!p0 $0x1082;
	s9 =	sld [smem:$0x3FAE]  }
0x2f: {  	lr =	sadd.s32 s0, s3;
	s0 =	sld [smem:$0x3FA5]  }
0x30: {  	s3 =	sld [smem:$0x3FA8]  }
0x31: {  	[smem:$0x3FB1] =	sst s10  }
0x32: {  	s10 =	sld [smem:$0x3FAF];
	_ =	sdelay $0x3  }
0x33: {  	p0 =	seq.s32 s10, $0x1;
	s10 =	sld [smem:$0x3FB1];
	_ =	sdelay $0x3  }
0x34: {  	[smem:$0x3FB1] =	sst s10  }
0x35: {  	s10 =	sld [smem:$0x3FB0];
	_ =	sdelay $0x3  }
0x36: {  	p1 =	seq.s32 s10, $0x1;
	s10 =	sld [smem:$0x3FB1];
	_ =	sdelay $0x3  }
0x37: {  	[smem:$0x3FB1] =	sst s10  }
0x38: {  	s10 =	sld [smem:$0x3FB2]  }
0x39: {  	_ = 	snop;
	(pc) =	sbr.ind lr, $3  }
0x3a: {  	_ = 	snop  }
0x3b: {  	_ = 	snop  }
0x3c: {  	p2 =	seq.s32 s10, $0x1;
	s10 =	sld [smem:$0x3FB1]  }
0x3d: {  	_ =	shalt  }
0x3e: {  	_ =	shalt  }
0x3f: {  	_ =	shalt  }
0x40: {  	_ =	shalt  }
0x41: {  	_ =	shalt  }
0x42: {  	_ =	shalt  }
0x43: {  	_ =	shalt  }
0x44: {  	_ =	shalt  }
0x45: {  	_ =	shalt  }
0x46: {  	_ =	shalt  }
0x47: {  	_ =	shalt  }
0x48: {  	_ =	shalt  }
0x49: {  	_ =	shalt  }
0x4a: {  	_ =	shalt  }
0x4b: {  	_ =	shalt  }
0x4c: {  	_ =	shalt  }
0x4d: {  	_ =	shalt  }
0x4e: {  	_ =	shalt  }
0x4f: {  	_ =	shalt  }
0x50: {  	_ =	shalt  }
0x51: {  	_ =	shalt  }
0x52: {  	_ =	shalt  }
0x53: {  	_ =	shalt  }
0x54: {  	_ =	shalt  }
0x55: {  	_ =	shalt  }
0x56: {  	_ =	shalt  }
0x57: {  	_ =	shalt  }
0x58: {  	_ =	shalt  }
0x59: {  	_ =	shalt  }
0x5a: {  	_ =	shalt  }
0x5b: {  	_ =	shalt  }
0x5c: {  	_ =	shalt  }
0x5d: {  	_ =	shalt  }
0x5e: {  	_ =	shalt  }
0x5f: {  	_ =	shalt  }
0x60: {  	_ =	shalt  }
0x61: {  	_ =	shalt  }
0x62: {  	_ =	shalt  }
0x63: {  	_ =	shalt  }
0x64: {  	_ =	shalt  }
0x65: {  	_ =	shalt  }
0x66: {  	_ =	shalt  }
0x67: {  	_ =	shalt  }
0x68: {  	_ =	shalt  }
0x69: {  	_ =	shalt  }
0x6a: {  	_ =	shalt  }
0x6b: {  	_ =	shalt  }
0x6c: {  	_ =	shalt  }
0x6d: {  	_ =	shalt  }
0x6e: {  	_ =	shalt  }
0x6f: {  	_ =	shalt  }
0x70: {  	_ =	shalt  }
0x71: {  	_ =	shalt  }
0x72: {  	_ =	shalt  }
0x73: {  	_ =	shalt  }
0x74: {  	_ =	shalt  }
0x75: {  	_ =	shalt  }
0x76: {  	_ =	shalt  }
0x77: {  	_ =	shalt  }
0x78: {  	_ =	shalt  }
0x79: {  	_ =	shalt  }
0x7a: {  	_ =	shalt  }
0x7b: {  	_ =	shalt  }
0x7c: {  	_ =	shalt  }
0x7d: {  	_ =	shalt  }
0x7e: {  	_ =	shalt  }
0x7f: {  	_ =	shalt  }
0x80: {  	_ =	shalt  }
0x81: {  	_ =	shalt  }
0x82: {  	_ =	shalt  }
0x83: {  	_ =	shalt  }
0x84: {  	_ =	shalt  }
0x85: {  	_ =	shalt  }
0x86: {  	_ =	shalt  }
0x87: {  	_ =	shalt  }
.Lfunc_end0:
.L_simem_size_0:
called_computation_lowered:
.L_overlay_start_0:
0x88: {  	s2 =	sld [smem:$0x3FD9]  }
0x89: {  	s3 =	sld [smem:$0x3FFE];
	_ =	sdelay $0x1  }
0x8a: {  	s1 =	srdreg.scid  }
0x8b: {  	s0 =	sand.u32 $0x1, s1  }
0x8c: {  	s17 =	sshll.u32 s0, $0xA;
	s2 =	sadd.s32 s3, s2  }
0x8d: {  	s2 =	sadd.s32 s2, s17  }
0x8e: {  	[smem:$0x3FBD] =	sst s2  }
0x8f: {  	_ = 	snop  }
0x90: {  	s2 =	sld [smem:$0x3FC9];
	(tm) =	ssettm $0x1  }
0x91: {  	s18 =	sld [smem:$0x3FFB];
	_ =	sdelay $0x3  }
0x92: {  	_ =	strace s18  }
0x93: {  	s3 =	sld [smem:$0x3FFC];
	_ =	sdelay $0x3  }
0x94: {  	_ =	strace s3  }
0x95: {  	s3 =	sld [smem:$0x3FFD];
	_ =	sdelay $0x3  }
0x96: {  	_ =	strace s3  }
0x97: {  	_ =	strace $0x8FFFFFFF  }
0x98: {  	s19 =	sld [smem:$0x3FDB];
	_ =	sdelay $0x1  }
0x99: {  	s4 =	simm.s32 $_scs_section_size  }
0x9a: {  	s5 =	simm.s32 $_size__tile_overlayer_lowered;
	s6 =	simm.s32 $_tile_overlayer_lowered  }
0x9b: {  	s22 =	simm.s32 $0x1BFF;
	s21 =	sshll.u32 s6, $0x1;
	s3 =	sadd.s32 s4, s19  }
0x9c: {  	s7 =	simm.s32 $0x0;
	s20 =	sshll.u32 s5, $0x1;
	s5 =	sadd.s32 s21, s3  }
0x9d: {  	[timem:s7], [sflag:s22] =	dma.local [hbm:s5], s20  }
0x9e: {  	_ =	swait.ge [sflag:s22], s20  }
0x9f: {  	s4 =	ssub.s32 $0x0, s20;
	[sflag:s22] =	ssyncset.done $0x0  }
0xa0: {  	[sflag:s22] =	ssyncadd.s32 s4;
	_ =	sdelay $0x1  }
0xa1: {  	s23 =	simm.s32 $0x1B8B  }
0xa2: {  	_ =	swait.ge [sflag:s23], $0x1  }
0xa3: {  	[sflag:s23] =	ssyncset.done $0x0  }
0xa4: {  	s25 =	simm.s32 $0x1B8E;
	s24 =	sld [smem:$0x3FFE];
	[sflag:s23] =	ssyncadd.s32 $0xFFFFFFFF  }
0xa5: {  	s26 =	simm.s32 $execute0_lowered;
	[smem:$0x3FD2] =	sst s25  }
0xa6: {  	s5 =	sshll.u32 s26, $0x1;
	_ =	strace $0x80000046;
	[dreg:$0x1] =	wrdreg $0xFFFFFFFF  }
0xa7: {  	s28 =	simm.s32 $_size_execute0_lowered;
	s3 =	sadd.s32 s3, s5;
	[dreg:$0x0] =	wrdreg $0x0  }
0xa8: {  	s5 =	sshll.u32 s28, $0x1;
	[dreg:$0x2] =	wrdreg s3  }
0xa9: {  	[dreg:$0x3] =	wrdreg s5  }
0xaa: {  	[dreg:$0x4] =	wrdreg $0xC0  }
0xab: {  	_ =	task [dreg:s7], $0x5FFFF  }
0xac: {  	[dreg:$0x1] =	wrdreg $0xFFFFFFFF  }
0xad: {  	[dreg:$0x0] =	wrdreg $0x60  }
0xae: {  	[dreg:$0x2] =	wrdreg s24  }
0xaf: {  	[dreg:$0x3] =	wrdreg s2  }
0xb0: {  	[dreg:$0x4] =	wrdreg $0x51000  }
0xb1: {  	[dreg:$0x5] =	wrdreg $0x9  }
0xb2: {  	_ =	task.clear_ibuf [dreg:s7], $0x6FFFF;
	_ =	strace $0x90000046  }
0xb3: {  	s29 =	simm.s32 $0x9;
	_ =	strace $0x80000048  }
0xb4: {  	_ =	swait.ge [sflag:s29], $0x1  }
0xb5: {  	[sflag:s29] =	ssyncadd.s32 $0xFFFFFFFF  }
0xb6: {  	_ =	strace $0x90000048  }
0xb7: {  	_ =	sfence  }
0xb8: {  	s30 =	sld [smem:$0x0];
	_ =	sdelay $0x2  }
0xb9: {  	s31 =	sshll.u32 s1, $0xD;
	s1 =	sshrl.u32 s1, $0x2  }
0xba: {  	s3 =	sand.u32 $0x4000, s31;
	s1 =	sadd.s32 s1, s30  }
0xbb: {  	s0 =	sor.u32 s3, s0;
	s1 =	sshll.u32 s1, $0x11  }
0xbc: {  	s0 =	sor.u32 s1, s0  }
0xbd: {  	s0 =	sadd.s32 $0x8F2B, s0  }
0xbe: {  	[sflag:s0] =	ssyncadd.remote.s32 $0x1  }
0xbf: {  	_ =	sfence.sel $0xFFFF  }
0xc0: {  	[dreg:$0x0] =	wrdreg $0xFFFFFFFF;
	(pc) =	sbr.abs _section_cstart, $3  }
0xc1: {  	[dreg:$0x1] =	wrdreg $0xFFFFFFFF  }
0xc2: {  	_ =	task.clear_ibuf [dreg:s7], $0x2FFFF;
	_ =	strace $0x9FFFFFFF  }
0xc3: {  	(tm) =	ssettm $0x7FFFFFFF  }
tec
execute0_lowered:
.L_overlay_start_1:
0x0: {  	(tag) =	ssettag $0x1  }
0x1: {  	s0 =	srdreg.scid  }
0x2: {  	s14 =	stileid.u32;
	s5 =	rddreg [dreg:$0x0]  }
0x3: {  	s2 =	rddreg [dreg:$0x1];
	s1 =	smul.u32 $0x4E20, s14  }
0x4: {  	s3 =	rddreg [dreg:$0x2];
	s0 =	sand.u32 $0x1, s0;
	s19 =	smul.u32 $0xA000, s14  }
0x5: {  	s4 =	simm.s32 $0x0;
	s28 =	simm.s32 $0x50;
	s6 =	smul.u32 $0x2710, s0  }
0x6: {  	s20 =	sor.u32 $0x10, s14;
	s17 =	ssub.s32 $0x2, s0;
	s0 =	smul.u32 $0x138800, s0  }
0x7: {  	s29 =	simm.s32 $0x100;
	s13 =	sor.u32 $0x20, s14;
	s22 =	smul.u32 $0xA000, s20  }
0x8: {  	s30 =	simm.s32 $0x1;
	s15 =	sor.u32 $0x30, s14;
	s8 =	smul.u32 $0xA000, s13  }
0x9: {  	s31 =	simm.s32 $0x3;
	s16 =	sor.u32 $0x40, s14;
	s9 =	smul.u32 $0xA000, s15  }
0xa: {  	[smem:$0x7FF] =	sst s4;
	s21 =	sadd.s32 $0x15E00, s5;
	s10 =	smul.u32 $0xA000, s16  }
0xb: {  	s24 =	sor.u32 $0x70, s14;
	_ =	strace $0x80000047;
	s25 =	smul.u32 $0x2800, s15  }
0xc: {  	p0 =	sgt.u32 s24, $0x7C;
	s7 =	sshrl.u32 s17, $0x1;
	s1 =	sadd.s32 s6, s1  }
0xd: {  	s18 =	ssub.s32 s17, s7;
	s6 =	sshrl.u32 s19, $0x2;
	s7 =	sshrl.u32 s22, $0x2  }
0xe: {  	s8 =	sshrl.u32 s8, $0x2;
	s9 =	sshrl.u32 s9, $0x2;
	s17 =	sor.u32 $0x50, s14  }
0xf: {  	s10 =	sshrl.u32 s10, $0x2;
	s19 =	smul.u32 $0xA000, s24;
	s15 =	sadd.s32 s0, s25  }
0x10: {  	s1 =	sshrl.u32 s1, $0x3;
	s6 =	sadd.s32 s6, s3;
	s7 =	sadd.s32 s7, s3  }
0x11: {  	s8 =	sadd.s32 s8, s3;
	s11 =	smul.u32 $0xA000, s17;
	s1 =	sadd.s32 s1, s5  }
0x12: {  	s5 =	smax.u32 s18, $0x1;
	s18 =	sor.u32 $0x60, s14;
	s14 =	smul.u32 $0x2800, s14  }
0x13: {  	s9 =	sadd.s32 s9, s3;
	s10 =	sadd.s32 s10, s3;
	s12 =	smul.u32 $0xA000, s18  }
0x14: {  	s19 =	sshrl.u32 s19, $0x2;
	[dreg:$0x4] =	wrdreg s5;
	s5 =	smul.u32 $0x2800, s20  }
0x15: {  	s11 =	sshrl.u32 s11, $0x2;
	s20 =	smul.u32 $0x2800, s13;
	s13 =	sadd.s32 s19, s3  }
0x16: {  	s22 =	smul.u32 $0x2800, s18;
	s11 =	sadd.s32 s11, s3;
	s14 =	sadd.s32 s0, s14  }
0x17: {  	s12 =	sshrl.u32 s12, $0x2;
	s14 =	sshrl.u32 s14, $0x3;
	s5 =	sadd.s32 s0, s5  }
0x18: {  	s23 =	sadd.s32 s0, s20;
	s12 =	sadd.s32 s12, s3;
	s14 =	sadd.s32 s21, s14  }
0x19: {  	s5 =	sshrl.u32 s5, $0x3;
	s26 =	sshrl.u32 s23, $0x3;
	s23 =	smul.u32 $0x2800, s24  }
0x1a: {  	[dreg:$0x5] =	wrdreg s14;
	s5 =	sadd.s32 s21, s5;
	s14 =	smul.u32 $0x2800, s16  }
0x1b: {  	s24 =	simm.s32 $0x2900;
	s16 =	smul.u32 $0x2800, s17;
	[dreg:$0x6] =	wrdreg s5  }
0x1c: {  	s5 =	sadd.s32 s21, s26;
	s26 =	sadd.s32 s0, s22;
	s22 =	sadd.s32 $0x2200, s1  }
0x1d: {  	[dreg:$0x7] =	wrdreg s5;
	s5 =	sshrl.u32 s15, $0x3;
	s19 =	sadd.s32 s0, s14  }
0x1e: {  	s25 =	sadd.s32 s0, s16;
	s20 =	sshrl.u32 s26, $0x3;
	s0 =	sadd.s32 s0, s23  }
0x1f: {  	s23 =	sadd.s32 $0xC000, s1;
	s26 =	simm.s32 $0x80;
	s1 =	simm.s32 $0x0  }
0x20: {  	s17 =	sadd.s32 s21, s5;
	s19 =	sshrl.u32 s19, $0x3;
	s5 =	sshrl.u32 s25, $0x3  }
0x21: {  	s20 =	sadd.s32 s21, s20;
	s0 =	sshrl.u32 s0, $0x3;
	s25 =	simm.s32 $0x2  }
0x22: {  	v0 =	vimm.f32 $0.0e+00;
	s18 =	sadd.s32 s21, s19;
	s19 =	sadd.s32 s21, s5;
	s21 =	sadd.s32 s21, s0  }
.LBB2_1:
0x23: {  	s0 =	simm.s32 $0x0;
	s5 =	simm.s32 $0x200  }
.LBB2_2:
0x24: {  	p1 =	sne.s32 s5, $0x9E00;
	[tilespmem:s0+$0x2970] =	vst v0  }
0x25: {  	[tilespmem:s0+$0x2900] =	vst v0  }
0x26: {  	[tilespmem:s0+$0x2910] =	vst v0  }
.Ltmp0:
0x27: {  	[tilespmem:s0+$0x2920] =	vst v0;
	(pc) =	sbr.rel @p1 .LBB2_2-.Ltmp0, $4  }
0x28: {  	[tilespmem:s0+$0x2930] =	vst v0  }
0x29: {  	[tilespmem:s0+$0x2940] =	vst v0  }
0x2a: {  	[tilespmem:s0+$0x2950] =	vst v0  }
0x2b: {  	[tilespmem:s0+$0x2960] =	vst v0;
	s0 =	sshra.s32 s5, $0x2;
	s5 =	sadd.s32 $0x200, s5  }
0x2c: {  	[tilespmem:s0+$0x2970] =	vst v0  }
0x2d: {  	[tilespmem:s0+$0x2900] =	vst v0  }
0x2e: {  	[tilespmem:s0+$0x2910] =	vst v0  }
0x2f: {  	[tilespmem:s0+$0x2920] =	vst v0  }
0x30: {  	[tilespmem:s0+$0x2930] =	vst v0  }
0x31: {  	[tilespmem:s0+$0x2940] =	vst v0  }
0x32: {  	[tilespmem:s0+$0x2950] =	vst v0  }
0x33: {  	[tilespmem:s0+$0x2960] =	vst v0  }
0x34: {  	[spmem:s6] =	stream.linear.scatter [tilespmem:s24], [sflag:$0x2], $0x2800, $0x38;
	[tilespmem:$0x18980] =	vst v63  }
0x35: {  	_ =	swait.ge [sflag:s25], $0x2800  }
0x36: {  	[sflag:s25] =	ssyncset.done $0x0  }
0x37: {  	[sflag:s25] =	ssyncadd.s32 $0xFFFFD800  }
0x38: {  	[spmem:s7] =	stream.linear.scatter [tilespmem:s24], [sflag:$0x2], $0x2800, $0x38;
	[tilespmem:$0x18980] =	vst v63  }
0x39: {  	_ =	swait.ge [sflag:s25], $0x2800  }
0x3a: {  	[sflag:s25] =	ssyncset.done $0x0  }
0x3b: {  	[sflag:s25] =	ssyncadd.s32 $0xFFFFD800  }
0x3c: {  	[spmem:s8] =	stream.linear.scatter [tilespmem:s24], [sflag:$0x2], $0x2800, $0x38;
	[tilespmem:$0x18980] =	vst v63  }
0x3d: {  	_ =	swait.ge [sflag:s25], $0x2800  }
0x3e: {  	[sflag:s25] =	ssyncset.done $0x0  }
0x3f: {  	[sflag:s25] =	ssyncadd.s32 $0xFFFFD800  }
0x40: {  	[spmem:s9] =	stream.linear.scatter [tilespmem:s24], [sflag:$0x2], $0x2800, $0x38;
	[tilespmem:$0x18980] =	vst v63  }
0x41: {  	_ =	swait.ge [sflag:s25], $0x2800  }
0x42: {  	[sflag:s25] =	ssyncset.done $0x0  }
0x43: {  	[sflag:s25] =	ssyncadd.s32 $0xFFFFD800  }
0x44: {  	[spmem:s10] =	stream.linear.scatter [tilespmem:s24], [sflag:$0x2], $0x2800, $0x38;
	[tilespmem:$0x18980] =	vst v63  }
0x45: {  	_ =	swait.ge [sflag:s25], $0x2800  }
0x46: {  	[sflag:s25] =	ssyncset.done $0x0  }
0x47: {  	[sflag:s25] =	ssyncadd.s32 $0xFFFFD800  }
0x48: {  	[spmem:s11] =	stream.linear.scatter [tilespmem:s24], [sflag:$0x2], $0x2800, $0x38;
	[tilespmem:$0x18980] =	vst v63  }
0x49: {  	_ =	swait.ge [sflag:s25], $0x2800  }
0x4a: {  	[sflag:s25] =	ssyncset.done $0x0  }
0x4b: {  	[sflag:s25] =	ssyncadd.s32 $0xFFFFD800  }
0x4c: {  	[spmem:s12] =	stream.linear.scatter [tilespmem:s24], [sflag:$0x2], $0x2800, $0x38;
	[tilespmem:$0x18980] =	vst v63  }
0x4d: {  	_ =	swait.ge [sflag:s25], $0x2800  }
0x4e: {  	[sflag:s25] =	ssyncset.done $0x0  }
0x4f: {  	s0 =	simm.s32 @!p0 $0x2900;
	[sflag:s25] =	ssyncadd.s32 $0xFFFFD800  }
0x50: {  	[spmem:s13] =	stream.linear.scatter @!p0 [tilespmem:s0], [sflag:$0x2], $0x2800, $0x38;
	[tilespmem:$0x18980] =	vst v63  }
0x51: {  	s0 =	simm.s32 @!p0 $0x2  }
0x52: {  	_ =	swait.ge @!p0 [sflag:s0], $0x2800  }
0x53: {  	[sflag:s0] =	ssyncset.done @!p0 $0x0  }
0x54: {  	[sflag:s0] =	ssyncadd.s32 @!p0 $0xFFFFD800  }
0x55: {  	s15 =	sadd.s32 $0x0, s23;
	[bflag:$0x0] =	sbarrier.arrive $0xFFFF  }
0x56: {  	[tilespmem:s4], [sflag:$0x2] =	stream.linear.gather [hbm4b:s15+s4], $0x50, $0x38;
	[tilespmem:$0x18980] =	vst v63  }
0x57: {  	_ =	swait.ge [sflag:s25], $0x50  }
0x58: {  	[sflag:s25] =	ssyncset.done $0x0  }
0x59: {  	s16 =	sadd.s32 $0x0, s22;
	[sflag:s25] =	ssyncadd.s32 $0xFFFFFFB0  }
0x5a: {  	[tilespmem:s26], [sflag:$0x2] =	stream.linear.gather [hbm4b:s16+s4], $0x50, $0x38;
	[tilespmem:$0x18980] =	vst v63  }
0x5b: {  	_ =	swait.ge [sflag:s25], $0x50  }
0x5c: {  	[sflag:s25] =	ssyncset.done $0x0  }
0x5d: {  	[sflag:s25] =	ssyncadd.s32 $0xFFFFFFB0  }
0x5e: {  	[tilespmem:s29], [sflag:$0x1] =	stream.indirect.gather [hbm4b:s2+s28], $0x80, s4, s28, $0xb8;
	[tilespmem:$0x18980] =	vst v63  }
0x5f: {  	_ =	swait.ge [sflag:s30], $0x2800  }
0x60: {  	[sflag:s30] =	ssyncset.done $0x0  }
0x61: {  	[sflag:s30] =	ssyncadd.s32 $0xFFFFD800  }
0x62: {  	[spmem:s3] =	stream.indirect.scatter.add.f32 [tilespmem:s29], [sflag:$0x2], $0x80, s26, s28, $0xb8;
	[tilespmem:$0x18980] =	vst v63  }
0x63: {  	_ =	swait.ge [sflag:s25], $0x2800  }
0x64: {  	s5 =	simm.s32 $0x14;
	s0 =	simm.s32 $0xA;
	[sflag:s25] =	ssyncset.done $0x0  }
.LBB2_4:
0x65: {  	s14 =	sadd.s32 s0, s23  }
0x66: {  	[sflag:s25] =	ssyncadd.s32 $0xFFFFD800;
	s15 =	smov.u32 s5;
	s16 =	sadd.s32 $0xA, s5  }
0x67: {  	[tilespmem:s4], [sflag:$0x2] =	stream.linear.gather [hbm4b:s14+s4], $0x50, $0x38;
	[tilespmem:$0x18980] =	vst v63  }
0x68: {  	p1 =	sne.s32 s5, $0x4D8;
	_ =	swait.ge [sflag:s25], $0x50  }
0x69: {  	[sflag:s25] =	ssyncset.done $0x0  }
0x6a: {  	s5 =	sadd.s32 s0, s22;
	s0 =	smov.u32 s15;
	[sflag:s25] =	ssyncadd.s32 $0xFFFFFFB0  }
0x6b: {  	[tilespmem:s26], [sflag:$0x2] =	stream.linear.gather [hbm4b:s5+s4], $0x50, $0x38;
	[tilespmem:$0x18980] =	vst v63  }
0x6c: {  	_ =	swait.ge [sflag:s25], $0x50  }
0x6d: {  	[sflag:s25] =	ssyncset.done $0x0  }
0x6e: {  	[sflag:s25] =	ssyncadd.s32 $0xFFFFFFB0  }
0x6f: {  	[tilespmem:s29], [sflag:$0x1] =	stream.indirect.gather [hbm4b:s2+s28], $0x80, s4, s28, $0xb8;
	[tilespmem:$0x18980] =	vst v63  }
0x70: {  	_ =	swait.ge [sflag:s30], $0x2800  }
.Ltmp1:
0x71: {  	[sflag:s30] =	ssyncset.done $0x0;
	(pc) =	sbr.rel @p1 .LBB2_4-.Ltmp1, $4  }
0x72: {  	[sflag:s30] =	ssyncadd.s32 $0xFFFFD800  }
0x73: {  	[spmem:s3] =	stream.indirect.scatter.add.f32 [tilespmem:s29], [sflag:$0x2], $0x80, s26, s28, $0xb8;
	[tilespmem:$0x18980] =	vst v63  }
0x74: {  	_ =	swait.ge [sflag:s25], $0x2800  }
0x75: {  	s5 =	smov.u32 s16;
	[sflag:s25] =	ssyncset.done $0x0  }
0x76: {  	s5 =	sadd.s32 s0, s23;
	[sflag:s25] =	ssyncadd.s32 $0xFFFFD800  }
0x77: {  	[tilespmem:s4], [sflag:$0x2] =	stream.linear.gather [hbm4b:s5+s4], $0x50, $0x38;
	[tilespmem:$0x18980] =	vst v63  }
0x78: {  	_ =	swait.ge [sflag:s25], $0x50  }
0x79: {  	[sflag:s25] =	ssyncset.done $0x0  }
0x7a: {  	s16 =	sadd.s32 s0, s22;
	[sflag:s25] =	ssyncadd.s32 $0xFFFFFFB0  }
0x7b: {  	[tilespmem:s26], [sflag:$0x2] =	stream.linear.gather [hbm4b:s16+s4], $0x50, $0x38;
	[tilespmem:$0x18980] =	vst v63  }
0x7c: {  	_ =	swait.ge [sflag:s25], $0x50  }
0x7d: {  	[sflag:s25] =	ssyncset.done $0x0  }
0x7e: {  	[sflag:s25] =	ssyncadd.s32 $0xFFFFFFB0  }
0x7f: {  	[tilespmem:s29], [sflag:$0x1] =	stream.indirect.gather [hbm4b:s2+s28], $0x80, s4, s28, $0xb8;
	[tilespmem:$0x18980] =	vst v63  }
0x80: {  	_ =	swait.ge [sflag:s30], $0x2800  }
0x81: {  	[sflag:s30] =	ssyncset.done $0x0  }
0x82: {  	[sflag:s30] =	ssyncadd.s32 $0xFFFFD800  }
0x83: {  	[spmem:s3] =	stream.indirect.scatter.add.f32 [tilespmem:s29], [sflag:$0x2], $0x80, s26, s28, $0xb8;
	[tilespmem:$0x18980] =	vst v63  }
0x84: {  	_ =	swait.ge [sflag:s25], $0x2800  }
0x85: {  	[sflag:s25] =	ssyncset.done $0x0  }
0x86: {  	[sflag:s25] =	ssyncadd.s32 $0xFFFFD800  }
0x87: {  	[bflag:$0x0] =	sbarrier.arrive $0xFFFF  }
0x88: {  	[tilespmem:s24], [sflag:$0x3] =	stream.linear.gather [spmem:s6], $0x2800, $0x38;
	[tilespmem:$0x18980] =	vst v63  }
0x89: {  	_ =	swait.ge [sflag:s31], $0x2800  }
0x8a: {  	[sflag:s31] =	ssyncset.done $0x0  }
0x8b: {  	s5 =	rddreg [dreg:$0x5];
	[sflag:s31] =	ssyncadd.s32 $0xFFFFD800  }
0x8c: {  	[hbm4b:s5+s4] =	stream.linear.scatter [tilespmem:s24], [sflag:$0x2], $0x2800, $0x38;
	[tilespmem:$0x18980] =	vst v63  }
0x8d: {  	_ =	swait.ge [sflag:s25], $0x2800  }
0x8e: {  	[sflag:s25] =	ssyncset.done $0x0  }
0x8f: {  	[sflag:s25] =	ssyncadd.s32 $0xFFFFD800  }
0x90: {  	[tilespmem:s24], [sflag:$0x3] =	stream.linear.gather [spmem:s7], $0x2800, $0x38;
	[tilespmem:$0x18980] =	vst v63  }
0x91: {  	_ =	swait.ge [sflag:s31], $0x2800  }
0x92: {  	[sflag:s31] =	ssyncset.done $0x0  }
0x93: {  	s14 =	rddreg [dreg:$0x6];
	[sflag:s31] =	ssyncadd.s32 $0xFFFFD800  }
0x94: {  	[hbm4b:s14+s4] =	stream.linear.scatter [tilespmem:s24], [sflag:$0x2], $0x2800, $0x38;
	[tilespmem:$0x18980] =	vst v63  }
0x95: {  	_ =	swait.ge [sflag:s25], $0x2800  }
0x96: {  	[sflag:s25] =	ssyncset.done $0x0  }
0x97: {  	[sflag:s25] =	ssyncadd.s32 $0xFFFFD800  }
0x98: {  	[tilespmem:s24], [sflag:$0x3] =	stream.linear.gather [spmem:s8], $0x2800, $0x38;
	[tilespmem:$0x18980] =	vst v63  }
0x99: {  	_ =	swait.ge [sflag:s31], $0x2800  }
0x9a: {  	[sflag:s31] =	ssyncset.done $0x0  }
0x9b: {  	s15 =	rddreg [dreg:$0x7];
	[sflag:s31] =	ssyncadd.s32 $0xFFFFD800  }
0x9c: {  	[hbm4b:s15+s4] =	stream.linear.scatter [tilespmem:s24], [sflag:$0x2], $0x2800, $0x38;
	[tilespmem:$0x18980] =	vst v63  }
0x9d: {  	_ =	swait.ge [sflag:s25], $0x2800  }
0x9e: {  	[sflag:s25] =	ssyncset.done $0x0  }
0x9f: {  	[sflag:s25] =	ssyncadd.s32 $0xFFFFD800  }
0xa0: {  	[tilespmem:s24], [sflag:$0x3] =	stream.linear.gather [spmem:s9], $0x2800, $0x38;
	[tilespmem:$0x18980] =	vst v63  }
0xa1: {  	_ =	swait.ge [sflag:s31], $0x2800  }
0xa2: {  	[sflag:s31] =	ssyncset.done $0x0  }
0xa3: {  	[sflag:s31] =	ssyncadd.s32 $0xFFFFD800  }
0xa4: {  	[hbm4b:s17+s4] =	stream.linear.scatter [tilespmem:s24], [sflag:$0x2], $0x2800, $0x38;
	[tilespmem:$0x18980] =	vst v63  }
0xa5: {  	_ =	swait.ge [sflag:s25], $0x2800  }
0xa6: {  	[sflag:s25] =	ssyncset.done $0x0  }
0xa7: {  	[sflag:s25] =	ssyncadd.s32 $0xFFFFD800  }
0xa8: {  	[tilespmem:s24], [sflag:$0x3] =	stream.linear.gather [spmem:s10], $0x2800, $0x38;
	[tilespmem:$0x18980] =	vst v63  }
0xa9: {  	_ =	swait.ge [sflag:s31], $0x2800  }
0xaa: {  	[sflag:s31] =	ssyncset.done $0x0  }
0xab: {  	[sflag:s31] =	ssyncadd.s32 $0xFFFFD800  }
0xac: {  	[hbm4b:s18+s4] =	stream.linear.scatter [tilespmem:s24], [sflag:$0x2], $0x2800, $0x38;
	[tilespmem:$0x18980] =	vst v63  }
0xad: {  	_ =	swait.ge [sflag:s25], $0x2800  }
0xae: {  	[sflag:s25] =	ssyncset.done $0x0  }
0xaf: {  	[sflag:s25] =	ssyncadd.s32 $0xFFFFD800  }
0xb0: {  	[tilespmem:s24], [sflag:$0x3] =	stream.linear.gather [spmem:s11], $0x2800, $0x38;
	[tilespmem:$0x18980] =	vst v63  }
0xb1: {  	_ =	swait.ge [sflag:s31], $0x2800  }
0xb2: {  	[sflag:s31] =	ssyncset.done $0x0  }
0xb3: {  	[sflag:s31] =	ssyncadd.s32 $0xFFFFD800  }
0xb4: {  	[hbm4b:s19+s4] =	stream.linear.scatter [tilespmem:s24], [sflag:$0x2], $0x2800, $0x38;
	[tilespmem:$0x18980] =	vst v63  }
0xb5: {  	_ =	swait.ge [sflag:s25], $0x2800  }
0xb6: {  	[sflag:s25] =	ssyncset.done $0x0  }
0xb7: {  	[sflag:s25] =	ssyncadd.s32 $0xFFFFD800  }
0xb8: {  	[tilespmem:s24], [sflag:$0x3] =	stream.linear.gather [spmem:s12], $0x2800, $0x38;
	[tilespmem:$0x18980] =	vst v63  }
0xb9: {  	_ =	swait.ge [sflag:s31], $0x2800  }
0xba: {  	[sflag:s31] =	ssyncset.done $0x0  }
0xbb: {  	[sflag:s31] =	ssyncadd.s32 $0xFFFFD800  }
0xbc: {  	[hbm4b:s20+s4] =	stream.linear.scatter [tilespmem:s24], [sflag:$0x2], $0x2800, $0x38;
	[tilespmem:$0x18980] =	vst v63  }
0xbd: {  	_ =	swait.ge [sflag:s25], $0x2800  }
0xbe: {  	[sflag:s25] =	ssyncset.done $0x0  }
0xbf: {  	s0 =	simm.s32 @!p0 $0x2900;
	s5 =	simm.s32 @!p0 $0x3;
	[sflag:s25] =	ssyncadd.s32 $0xFFFFD800  }
0xc0: {  	[tilespmem:s0], [sflag:$0x3] =	stream.linear.gather @!p0 [spmem:s13], $0x2800, $0x38;
	[tilespmem:$0x18980] =	vst v63  }
0xc1: {  	_ =	swait.ge @!p0 [sflag:s5], $0x2800  }
0xc2: {  	[sflag:s5] =	ssyncset.done @!p0 $0x0  }
0xc3: {  	[sflag:s5] =	ssyncadd.s32 @!p0 $0xFFFFD800;
	s5 =	simm.s32 @!p0 $0x0  }
0xc4: {  	[hbm4b:s21+s5] =	stream.linear.scatter @!p0 [tilespmem:s0], [sflag:$0x2], $0x2800, $0x38;
	[tilespmem:$0x18980] =	vst v63  }
0xc5: {  	s0 =	simm.s32 @!p0 $0x2  }
0xc6: {  	_ =	swait.ge @!p0 [sflag:s0], $0x2800  }
0xc7: {  	s1 =	sadd.s32 $0x1, s1;
	s16 =	rddreg [dreg:$0x4]  }
0xc8: {  	p1 =	sne.s32 s1, s16  }
.Ltmp2:
0xc9: {  	_ = 	snop;
	(pc) =	sbr.rel @p1 .LBB2_1-.Ltmp2, $3  }
0xca: {  	_ =	sdelay $0x1  }
0xcb: {  	[sflag:s0] =	ssyncset.done @!p0 $0x0  }
0xcc: {  	[sflag:s0] =	ssyncadd.s32 @!p0 $0xFFFFD800  }
0xcd: {  	_ =	sfence.sel $0x180000  }
0xce: {  	[bflag:$0x0] =	sbarrier.arrive $0xFFFF  }
0xcf: {  	_ =	strace $0x90000047  }
0xd0: {  	s0 =	stileid.u32;
	[bflag:$0x2] =	sbarrier.arrive $0xFFFF  }
0xd1: {  	p0 =	sne.s32 s0, $0x0;
	s0 =	rddreg [dreg:$0x3]  }
0xd2: {  	s0 =	sadd.s32 @!p0 $0x100000, s0  }
0xd3: {  	[sflag:s0] =	ssyncadd.tile.s32 @!p0 $0x1;
	_ =	shalt  }
.Lfunc_end2:
_tile_overlayer_lowered:
.L_overlay_start_2:
0xd4: {  	(tag) =	ssettag $0x2  }
0xd5: {  	s0 =	rddreg [dreg:$0x0];
	s2 =	stileid.u32  }
0xd6: {  	s1 =	rddreg [dreg:$0x1];
	p0 =	sne.s32 s2, $0x0  }
0xd7: {  	s3 =	rddreg [dreg:$0x2];
	[bflag:$0x3] =	sbarrier.arrive $0xFFFF;
	s2 =	simm.s32 @!p0 $0x1C02  }
0xd8: {  	[timem:s3], [sflag:s2] =	dma.local @!p0 [hbm:s0], s1  }
0xd9: {  	s0 =	simm.s32 @!p0 $0x2  }
0xda: {  	_ =	swait.ge @!p0 [sflag:s0], s1  }
0xdb: {  	s1 =	ssub.s32 @!p0 $0x0, s1;
	[sflag:s0] =	ssyncset.done @!p0 $0x0  }
0xdc: {  	[sflag:s0] =	ssyncadd.s32 @!p0 s1  }
0xdd: {  	[bflag:$0x3] =	sbarrier.arrive $0xFFFF  }
0xde: {  	_ =	shalt  }

// kernel: kernel.9.cloned.1.call-start
scs
__scs_entry_jumppad:
0x0: {  	(pc) =	sbr.rel $0x88, $3  }
0x1: {  	(tag) =	ssettag $0x0;
	lr =	simm.s32 $0x1  }
0x2: {  	[smem:$0x3F96] =	sst lr;
	_ =	strace $0xD0000000  }
0x3: {  	_ = 	snop  }
0x4: {  	_ = 	snop  }
0x5: {  	_ = 	snop  }
0x6: {  	_ = 	snop  }
0x7: {  	_ = 	snop  }
__scs_overlays_trampoline_lowered:
0x8: {  	[smem:$0x3FA5] =	sst s0  }
0x9: {  	[smem:$0x3FA6] =	sst s1  }
0xa: {  	[smem:$0x3FA7] =	sst s2  }
0xb: {  	[smem:$0x3FA8] =	sst s3  }
0xc: {  	[smem:$0x3FA9] =	sst s4  }
0xd: {  	[smem:$0x3FAA] =	sst s5  }
0xe: {  	[smem:$0x3FAB] =	sst s6  }
0xf: {  	[smem:$0x3FAC] =	sst s7  }
0x10: {  	[smem:$0x3FAD] =	sst s8  }
0x11: {  	[smem:$0x3FAE] =	sst s9;
	s0 =	simm.s32 @!p0 $0x0  }
0x12: {  	s1 =	sld [smem:$0x3F94];
	s0 =	simm.s32 @p0 $0x1  }
0x13: {  	[smem:$0x3FAF] =	sst s0;
	s0 =	simm.s32 @!p1 $0x0  }
0x14: {  	s2 =	sld [smem:$0x3F93];
	s0 =	simm.s32 @p1 $0x1  }
0x15: {  	[smem:$0x3FB0] =	sst s0;
	s0 =	simm.s32 @!p2 $0x0  }
0x16: {  	s3 =	sld [smem:$0x3FDB];
	s0 =	simm.s32 @p2 $0x1  }
0x17: {  	s4 =	simm.s32 $0x1BF5;
	[smem:$0x3FB2] =	sst s0  }
0x18: {  	s0 =	sld [smem:$0x3F95];
	_ =	swait.ge [sflag:s4], $0x0  }
0x19: {  	s7 =	sld [smem:$0x3F96]  }
0x1a: {  	s8 =	sadd.s32 $0xFFFFE003, lr  }
0x1b: {  	s9 =	sadd.s32 $0xFFFFFEF7, lr;
	s5 =	simm.s32 $0xFFFFFFFF;
	p2 =	slt.u32 s8, $0xFFFFF086  }
0x1c: {  	p1 =	slt.u32 s9, $0xF7A;
	s5 =	simm.s32 @!p2 $0x0  }
0x1d: {  	s5 =	simm.s32 @p1 $0x1;
	p0 =	seq.s32 s7, s2  }
0x1e: {  	s7 =	smul.u32 @!p0 $0xF7A, s2;
	p2 =	seq.s32 @!p0 s5, $0x0  }
0x1f: {  	s9 =	smul.u32 $0xF7A, s1;
	s8 =	simm.s32 @!p0 $0x1BF5;
	p2 =	por !p2, p0  }
0x20: {  	[sflag:s8] =	ssyncset.s32 @!p0 $0xFFFFF086;
	s6 =	sadd.s32 @!p0 s3, s7;
	s7 =	simm.s32 @!p0 $0x108  }
0x21: {  	s3 =	sadd.s32 s3, s9;
	s6 =	sadd.s32 @!p0 $0x88, s6;
	s7 =	simm.s32 @p2 $0x1082  }
0x22: {  	[simem:s7], [sflag:s8] =	dma.local @!p0 [hbm:s6], $0xF7A  }
0x23: {  	s9 =	sor.u32 $0xD0000000, s2;
	s6 =	simm.s32 $0x108;
	_ =	swait.ge @!p0 [sflag:s8], $0x0  }
0x24: {  	s3 =	sadd.s32 $0x88, s3;
	s6 =	simm.s32 @!p1 $0x1082;
	[sflag:s4] =	ssyncset.s32 $0xFFFFF086  }
0x25: {  	[simem:s6], [sflag:s4] =	dma.local [hbm:s3], $0xF7A  }
0x26: {  	[smem:$0x3F96] =	sst s1;
	(tag) =	ssettag s2;
	_ =	strace s9  }
0x27: {  	s1 =	sld [smem:$0x3FA6]  }
0x28: {  	s2 =	sld [smem:$0x3FA7]  }
0x29: {  	s4 =	sld [smem:$0x3FA9]  }
0x2a: {  	p0 =	seq.s32 s5, $0x0;
	s5 =	sld [smem:$0x3FAA]  }
0x2b: {  	s6 =	sld [smem:$0x3FAB]  }
0x2c: {  	s7 =	sld [smem:$0x3FAC]  }
0x2d: {  	s3 =	simm.s32 $0x108;
	s8 =	sld [smem:$0x3FAD]  }
0x2e: {  	s3 =	simm.s32 @!p0 $0x1082;
	s9 =	sld [smem:$0x3FAE]  }
0x2f: {  	lr =	sadd.s32 s0, s3;
	s0 =	sld [smem:$0x3FA5]  }
0x30: {  	s3 =	sld [smem:$0x3FA8]  }
0x31: {  	[smem:$0x3FB1] =	sst s10  }
0x32: {  	s10 =	sld [smem:$0x3FAF];
	_ =	sdelay $0x3  }
0x33: {  	p0 =	seq.s32 s10, $0x1;
	s10 =	sld [smem:$0x3FB1];
	_ =	sdelay $0x3  }
0x34: {  	[smem:$0x3FB1] =	sst s10  }
0x35: {  	s10 =	sld [smem:$0x3FB0];
	_ =	sdelay $0x3  }
0x36: {  	p1 =	seq.s32 s10, $0x1;
	s10 =	sld [smem:$0x3FB1];
	_ =	sdelay $0x3  }
0x37: {  	[smem:$0x3FB1] =	sst s10  }
0x38: {  	s10 =	sld [smem:$0x3FB2]  }
0x39: {  	_ = 	snop;
	(pc) =	sbr.ind lr, $3  }
0x3a: {  	_ = 	snop  }
0x3b: {  	_ = 	snop  }
0x3c: {  	p2 =	seq.s32 s10, $0x1;
	s10 =	sld [smem:$0x3FB1]  }
0x3d: {  	_ =	shalt  }
0x3e: {  	_ =	shalt  }
0x3f: {  	_ =	shalt  }
0x40: {  	_ =	shalt  }
0x41: {  	_ =	shalt  }
0x42: {  	_ =	shalt  }
0x43: {  	_ =	shalt  }
0x44: {  	_ =	shalt  }
0x45: {  	_ =	shalt  }
0x46: {  	_ =	shalt  }
0x47: {  	_ =	shalt  }
0x48: {  	_ =	shalt  }
0x49: {  	_ =	shalt  }
0x4a: {  	_ =	shalt  }
0x4b: {  	_ =	shalt  }
0x4c: {  	_ =	shalt  }
0x4d: {  	_ =	shalt  }
0x4e: {  	_ =	shalt  }
0x4f: {  	_ =	shalt  }
0x50: {  	_ =	shalt  }
0x51: {  	_ =	shalt  }
0x52: {  	_ =	shalt  }
0x53: {  	_ =	shalt  }
0x54: {  	_ =	shalt  }
0x55: {  	_ =	shalt  }
0x56: {  	_ =	shalt  }
0x57: {  	_ =	shalt  }
0x58: {  	_ =	shalt  }
0x59: {  	_ =	shalt  }
0x5a: {  	_ =	shalt  }
0x5b: {  	_ =	shalt  }
0x5c: {  	_ =	shalt  }
0x5d: {  	_ =	shalt  }
0x5e: {  	_ =	shalt  }
0x5f: {  	_ =	shalt  }
0x60: {  	_ =	shalt  }
0x61: {  	_ =	shalt  }
0x62: {  	_ =	shalt  }
0x63: {  	_ =	shalt  }
0x64: {  	_ =	shalt  }
0x65: {  	_ =	shalt  }
0x66: {  	_ =	shalt  }
0x67: {  	_ =	shalt  }
0x68: {  	_ =	shalt  }
0x69: {  	_ =	shalt  }
0x6a: {  	_ =	shalt  }
0x6b: {  	_ =	shalt  }
0x6c: {  	_ =	shalt  }
0x6d: {  	_ =	shalt  }
0x6e: {  	_ =	shalt  }
0x6f: {  	_ =	shalt  }
0x70: {  	_ =	shalt  }
0x71: {  	_ =	shalt  }
0x72: {  	_ =	shalt  }
0x73: {  	_ =	shalt  }
0x74: {  	_ =	shalt  }
0x75: {  	_ =	shalt  }
0x76: {  	_ =	shalt  }
0x77: {  	_ =	shalt  }
0x78: {  	_ =	shalt  }
0x79: {  	_ =	shalt  }
0x7a: {  	_ =	shalt  }
0x7b: {  	_ =	shalt  }
0x7c: {  	_ =	shalt  }
0x7d: {  	_ =	shalt  }
0x7e: {  	_ =	shalt  }
0x7f: {  	_ =	shalt  }
0x80: {  	_ =	shalt  }
0x81: {  	_ =	shalt  }
0x82: {  	_ =	shalt  }
0x83: {  	_ =	shalt  }
0x84: {  	_ =	shalt  }
0x85: {  	_ =	shalt  }
0x86: {  	_ =	shalt  }
0x87: {  	_ =	shalt  }
.Lfunc_end0:
.L_simem_size_0:
called_computation.1_lowered:
.L_overlay_start_0:
0x88: {  	s2 =	sld [smem:$0x3FD9]  }
0x89: {  	s3 =	sld [smem:$0x3FFE];
	_ =	sdelay $0x1  }
0x8a: {  	s1 =	srdreg.scid  }
0x8b: {  	s0 =	sand.u32 $0x1, s1  }
0x8c: {  	s16 =	sshll.u32 s0, $0xA;
	s2 =	sadd.s32 s3, s2  }
0x8d: {  	s2 =	sadd.s32 s2, s16  }
0x8e: {  	[smem:$0x3FBD] =	sst s2  }
0x8f: {  	_ = 	snop  }
0x90: {  	(tm) =	ssettm $0x1  }
0x91: {  	s17 =	sld [smem:$0x3FFB];
	_ =	sdelay $0x3  }
0x92: {  	_ =	strace s17  }
0x93: {  	s2 =	sld [smem:$0x3FFC];
	_ =	sdelay $0x3  }
0x94: {  	_ =	strace s2  }
0x95: {  	s2 =	sld [smem:$0x3FFD];
	_ =	sdelay $0x3  }
0x96: {  	_ =	strace s2  }
0x97: {  	_ =	strace $0x8FFFFFFF  }
0x98: {  	s18 =	sld [smem:$0x3FDB];
	_ =	sdelay $0x1  }
0x99: {  	s19 =	simm.s32 $_scs_section_size  }
0x9a: {  	s4 =	simm.s32 $_size__tile_overlayer_lowered;
	s5 =	simm.s32 $_tile_overlayer_lowered  }
0x9b: {  	s22 =	simm.s32 $0x1BFF;
	s21 =	sshll.u32 s5, $0x1;
	s2 =	sadd.s32 s19, s18  }
0x9c: {  	s6 =	simm.s32 $0x0;
	s20 =	sshll.u32 s4, $0x1;
	s4 =	sadd.s32 s21, s2  }
0x9d: {  	[timem:s6], [sflag:s22] =	dma.local [hbm:s4], s20  }
0x9e: {  	_ =	swait.ge [sflag:s22], s20  }
0x9f: {  	s3 =	ssub.s32 $0x0, s20;
	[sflag:s22] =	ssyncset.done $0x0  }
0xa0: {  	[sflag:s22] =	ssyncadd.s32 s3;
	_ =	sdelay $0x1  }
0xa1: {  	s23 =	simm.s32 $0x1B8B  }
0xa2: {  	_ =	swait.ge [sflag:s23], $0x1  }
0xa3: {  	[sflag:s23] =	ssyncset.done $0x0  }
0xa4: {  	s25 =	simm.s32 $0x1B8E;
	s24 =	sld [smem:$0x3FFE];
	[sflag:s23] =	ssyncadd.s32 $0xFFFFFFFF  }
0xa5: {  	s26 =	simm.s32 $execute0_lowered;
	[smem:$0x3FD2] =	sst s25  }
0xa6: {  	s4 =	sshll.u32 s26, $0x1;
	_ =	strace $0x80000049;
	[dreg:$0x1] =	wrdreg $0xFFFFFFFF  }
0xa7: {  	s28 =	simm.s32 $_size_execute0_lowered;
	s2 =	sadd.s32 s2, s4;
	[dreg:$0x0] =	wrdreg $0x0  }
0xa8: {  	s4 =	sshll.u32 s28, $0x1;
	[dreg:$0x2] =	wrdreg s2  }
0xa9: {  	[dreg:$0x3] =	wrdreg s4  }
0xaa: {  	[dreg:$0x4] =	wrdreg $0xC0  }
0xab: {  	_ =	task [dreg:s6], $0x5FFFF  }
0xac: {  	[dreg:$0x1] =	wrdreg $0xFFFFFFFF  }
0xad: {  	[dreg:$0x0] =	wrdreg $0x60  }
0xae: {  	[dreg:$0x2] =	wrdreg s24  }
0xaf: {  	[dreg:$0x3] =	wrdreg $0x51000  }
0xb0: {  	[dreg:$0x4] =	wrdreg $0x9  }
0xb1: {  	_ =	task.clear_ibuf [dreg:s6], $0x5FFFF;
	_ =	strace $0x90000049  }
0xb2: {  	s29 =	simm.s32 $0x9;
	_ =	strace $0x8000004B  }
0xb3: {  	_ =	swait.ge [sflag:s29], $0x1  }
0xb4: {  	[sflag:s29] =	ssyncadd.s32 $0xFFFFFFFF  }
0xb5: {  	_ =	strace $0x9000004B  }
0xb6: {  	_ =	sfence  }
0xb7: {  	s30 =	sld [smem:$0x0];
	_ =	sdelay $0x2  }
0xb8: {  	s31 =	sshll.u32 s1, $0xD;
	s1 =	sshrl.u32 s1, $0x2  }
0xb9: {  	s3 =	sand.u32 $0x4000, s31;
	s1 =	sadd.s32 s1, s30  }
0xba: {  	s0 =	sor.u32 s3, s0;
	s1 =	sshll.u32 s1, $0x11  }
0xbb: {  	s0 =	sor.u32 s1, s0  }
0xbc: {  	s0 =	sadd.s32 $0x8F2B, s0  }
0xbd: {  	[sflag:s0] =	ssyncadd.remote.s32 $0x1  }
0xbe: {  	_ =	sfence.sel $0xFFFF  }
0xbf: {  	[dreg:$0x0] =	wrdreg $0xFFFFFFFF;
	(pc) =	sbr.abs _section_cstart, $3  }
0xc0: {  	[dreg:$0x1] =	wrdreg $0xFFFFFFFF  }
0xc1: {  	_ =	task.clear_ibuf [dreg:s6], $0x2FFFF;
	_ =	strace $0x9FFFFFFF  }
0xc2: {  	(tm) =	ssettm $0x7FFFFFFF  }
0xc3: {  	_ =	shalt  }
tec
execute0_lowered:
.L_overlay_start_1:
0x0: {  	(tag) =	ssettag $0x1  }
0x1: {  	s0 =	srdreg.scid  }
0x2: {  	s14 =	stileid.u32;
	s5 =	rddreg [dreg:$0x0]  }
0x3: {  	s2 =	rddreg [dreg:$0x1];
	s1 =	smul.u32 $0x4E20, s14  }
0x4: {  	s3 =	simm.s32 $0x0;
	s0 =	sand.u32 $0x1, s0;
	s19 =	smul.u32 $0xA000, s14  }
0x5: {  	s28 =	simm.s32 $0x50;
	s29 =	simm.s32 $0x100;
	s4 =	smul.u32 $0x2710, s0  }
0x6: {  	s20 =	sor.u32 $0x10, s14;
	s6 =	ssub.s32 $0x2, s0;
	s0 =	smul.u32 $0x138800, s0  }
0x7: {  	s30 =	simm.s32 $0x1;
	s13 =	sor.u32 $0x20, s14;
	s22 =	smul.u32 $0xA000, s20  }
0x8: {  	s31 =	simm.s32 $0x3;
	s15 =	sor.u32 $0x30, s14;
	s8 =	smul.u32 $0xA000, s13  }
0x9: {  	[smem:$0x7FF] =	sst s3;
	s16 =	sor.u32 $0x40, s14;
	s9 =	smul.u32 $0xA000, s15  }
0xa: {  	s21 =	sadd.s32 $0x3D000, s5;
	s17 =	sor.u32 $0x50, s14;
	s10 =	smul.u32 $0xA000, s16  }
0xb: {  	s24 =	sor.u32 $0x70, s14;
	_ =	strace $0x8000004A;
	s11 =	smul.u32 $0xA000, s17  }
0xc: {  	s25 =	smul.u32 $0x2800, s15;
	p0 =	sgt.u32 s24, $0x7C;
	s7 =	sshrl.u32 s6, $0x1  }
0xd: {  	s1 =	sadd.s32 s4, s1;
	s4 =	sadd.s32 $0x15E00, s5;
	s18 =	ssub.s32 s6, s7  }
0xe: {  	s6 =	sshrl.u32 s19, $0x2;
	s7 =	sshrl.u32 s22, $0x2;
	s8 =	sshrl.u32 s8, $0x2  }
0xf: {  	s9 =	sshrl.u32 s9, $0x2;
	s10 =	sshrl.u32 s10, $0x2;
	s11 =	sshrl.u32 s11, $0x2  }
0x10: {  	s19 =	smul.u32 $0xA000, s24;
	s15 =	sadd.s32 s0, s25;
	s1 =	sshrl.u32 s1, $0x3  }
0x11: {  	s6 =	sadd.s32 s6, s2;
	s7 =	sadd.s32 s7, s2;
	s1 =	sadd.s32 s1, s5  }
0x12: {  	s5 =	smax.u32 s18, $0x1;
	s18 =	sor.u32 $0x60, s14;
	s14 =	smul.u32 $0x2800, s14  }
0x13: {  	s8 =	sadd.s32 s8, s2;
	s9 =	sadd.s32 s9, s2;
	s12 =	smul.u32 $0xA000, s18  }
0x14: {  	s10 =	sadd.s32 s10, s2;
	[dreg:$0x3] =	wrdreg s5;
	s5 =	smul.u32 $0x2800, s20  }
0x15: {  	s11 =	sadd.s32 s11, s2;
	s19 =	sshrl.u32 s19, $0x2;
	s20 =	smul.u32 $0x2800, s13  }
0x16: {  	s13 =	sadd.s32 s19, s2;
	s22 =	smul.u32 $0x2800, s18;
	s14 =	sadd.s32 s0, s14  }
0x17: {  	s12 =	sshrl.u32 s12, $0x2;
	s14 =	sshrl.u32 s14, $0x3;
	s5 =	sadd.s32 s0, s5  }
0x18: {  	s23 =	sadd.s32 s0, s20;
	s12 =	sadd.s32 s12, s2;
	s14 =	sadd.s32 s21, s14  }
0x19: {  	s5 =	sshrl.u32 s5, $0x3;
	s26 =	sshrl.u32 s23, $0x3;
	s23 =	smul.u32 $0x2800, s24  }
0x1a: {  	[dreg:$0x4] =	wrdreg s14;
	s5 =	sadd.s32 s21, s5;
	s14 =	smul.u32 $0x2800, s16  }
0x1b: {  	s24 =	simm.s32 $0x2900;
	s16 =	smul.u32 $0x2800, s17;
	[dreg:$0x5] =	wrdreg s5  }
0x1c: {  	s5 =	sadd.s32 s21, s26;
	s26 =	sadd.s32 s0, s22;
	s22 =	sadd.s32 $0x2200, s1  }
0x1d: {  	[dreg:$0x6] =	wrdreg s5;
	s5 =	sshrl.u32 s15, $0x3;
	s19 =	sadd.s32 s0, s14  }
0x1e: {  	s25 =	sadd.s32 s0, s16;
	s20 =	sshrl.u32 s26, $0x3;
	s0 =	sadd.s32 s0, s23  }
0x1f: {  	s23 =	sadd.s32 $0xC000, s1;
	s26 =	simm.s32 $0x80;
	s1 =	simm.s32 $0x0  }
0x20: {  	s17 =	sadd.s32 s21, s5;
	s19 =	sshrl.u32 s19, $0x3;
	s5 =	sshrl.u32 s25, $0x3  }
0x21: {  	s20 =	sadd.s32 s21, s20;
	s0 =	sshrl.u32 s0, $0x3;
	s25 =	simm.s32 $0x2  }
0x22: {  	v0 =	vimm.f32 $0.0e+00;
	s18 =	sadd.s32 s21, s19;
	s19 =	sadd.s32 s21, s5;
	s21 =	sadd.s32 s21, s0  }
.LBB2_1:
0x23: {  	s0 =	simm.s32 $0x0;
	s5 =	simm.s32 $0x200  }
.LBB2_2:
0x24: {  	p1 =	sne.s32 s5, $0x9E00;
	[tilespmem:s0+$0x2970] =	vst v0  }
0x25: {  	[tilespmem:s0+$0x2900] =	vst v0  }
0x26: {  	[tilespmem:s0+$0x2910] =	vst v0  }
.Ltmp0:
0x27: {  	[tilespmem:s0+$0x2920] =	vst v0;
	(pc) =	sbr.rel @p1 .LBB2_2-.Ltmp0, $4  }
0x28: {  	[tilespmem:s0+$0x2930] =	vst v0  }
0x29: {  	[tilespmem:s0+$0x2940] =	vst v0  }
0x2a: {  	[tilespmem:s0+$0x2950] =	vst v0  }
0x2b: {  	[tilespmem:s0+$0x2960] =	vst v0;
	s0 =	sshra.s32 s5, $0x2;
	s5 =	sadd.s32 $0x200, s5  }
0x2c: {  	[tilespmem:s0+$0x2970] =	vst v0  }
0x2d: {  	[tilespmem:s0+$0x2900] =	vst v0  }
0x2e: {  	[tilespmem:s0+$0x2910] =	vst v0  }
0x2f: {  	[tilespmem:s0+$0x2920] =	vst v0  }
0x30: {  	[tilespmem:s0+$0x2930] =	vst v0  }
0x31: {  	[tilespmem:s0+$0x2940] =	vst v0  }
0x32: {  	[tilespmem:s0+$0x2950] =	vst v0  }
0x33: {  	[tilespmem:s0+$0x2960] =	vst v0  }
0x34: {  	[spmem:s6] =	stream.linear.scatter [tilespmem:s24], [sflag:$0x2], $0x2800, $0x38;
	[tilespmem:$0x18980] =	vst v63  }
0x35: {  	_ =	swait.ge [sflag:s25], $0x2800  }
0x36: {  	[sflag:s25] =	ssyncset.done $0x0  }
0x37: {  	[sflag:s25] =	ssyncadd.s32 $0xFFFFD800  }
0x38: {  	[spmem:s7] =	stream.linear.scatter [tilespmem:s24], [sflag:$0x2], $0x2800, $0x38;
	[tilespmem:$0x18980] =	vst v63  }
0x39: {  	_ =	swait.ge [sflag:s25], $0x2800  }
0x3a: {  	[sflag:s25] =	ssyncset.done $0x0  }
0x3b: {  	[sflag:s25] =	ssyncadd.s32 $0xFFFFD800  }
0x3c: {  	[spmem:s8] =	stream.linear.scatter [tilespmem:s24], [sflag:$0x2], $0x2800, $0x38;
	[tilespmem:$0x18980] =	vst v63  }
0x3d: {  	_ =	swait.ge [sflag:s25], $0x2800  }
0x3e: {  	[sflag:s25] =	ssyncset.done $0x0  }
0x3f: {  	[sflag:s25] =	ssyncadd.s32 $0xFFFFD800  }
0x40: {  	[spmem:s9] =	stream.linear.scatter [tilespmem:s24], [sflag:$0x2], $0x2800, $0x38;
	[tilespmem:$0x18980] =	vst v63  }
0x41: {  	_ =	swait.ge [sflag:s25], $0x2800  }
0x42: {  	[sflag:s25] =	ssyncset.done $0x0  }
0x43: {  	[sflag:s25] =	ssyncadd.s32 $0xFFFFD800  }
0x44: {  	[spmem:s10] =	stream.linear.scatter [tilespmem:s24], [sflag:$0x2], $0x2800, $0x38;
	[tilespmem:$0x18980] =	vst v63  }
0x45: {  	_ =	swait.ge [sflag:s25], $0x2800  }
0x46: {  	[sflag:s25] =	ssyncset.done $0x0  }
0x47: {  	[sflag:s25] =	ssyncadd.s32 $0xFFFFD800  }
0x48: {  	[spmem:s11] =	stream.linear.scatter [tilespmem:s24], [sflag:$0x2], $0x2800, $0x38;
	[tilespmem:$0x18980] =	vst v63  }
0x49: {  	_ =	swait.ge [sflag:s25], $0x2800  }
0x4a: {  	[sflag:s25] =	ssyncset.done $0x0  }
0x4b: {  	[sflag:s25] =	ssyncadd.s32 $0xFFFFD800  }
0x4c: {  	[spmem:s12] =	stream.linear.scatter [tilespmem:s24], [sflag:$0x2], $0x2800, $0x38;
	[tilespmem:$0x18980] =	vst v63  }
0x4d: {  	_ =	swait.ge [sflag:s25], $0x2800  }
0x4e: {  	[sflag:s25] =	ssyncset.done $0x0  }
0x4f: {  	s0 =	simm.s32 @!p0 $0x2900;
	[sflag:s25] =	ssyncadd.s32 $0xFFFFD800  }
0x50: {  	[spmem:s13] =	stream.linear.scatter @!p0 [tilespmem:s0], [sflag:$0x2], $0x2800, $0x38;
	[tilespmem:$0x18980] =	vst v63  }
0x51: {  	s0 =	simm.s32 @!p0 $0x2  }
0x52: {  	_ =	swait.ge @!p0 [sflag:s0], $0x2800  }
0x53: {  	[sflag:s0] =	ssyncset.done @!p0 $0x0  }
0x54: {  	[sflag:s0] =	ssyncadd.s32 @!p0 $0xFFFFD800  }
0x55: {  	s15 =	sadd.s32 $0x0, s23;
	[bflag:$0x0] =	sbarrier.arrive $0xFFFF  }
0x56: {  	[tilespmem:s3], [sflag:$0x2] =	stream.linear.gather [hbm4b:s15+s3], $0x50, $0x38;
	[tilespmem:$0x18980] =	vst v63  }
0x57: {  	_ =	swait.ge [sflag:s25], $0x50  }
0x58: {  	[sflag:s25] =	ssyncset.done $0x0  }
0x59: {  	s16 =	sadd.s32 $0x0, s22;
	[sflag:s25] =	ssyncadd.s32 $0xFFFFFFB0  }
0x5a: {  	[tilespmem:s26], [sflag:$0x2] =	stream.linear.gather [hbm4b:s16+s3], $0x50, $0x38;
	[tilespmem:$0x18980] =	vst v63  }
0x5b: {  	_ =	swait.ge [sflag:s25], $0x50  }
0x5c: {  	[sflag:s25] =	ssyncset.done $0x0  }
0x5d: {  	[sflag:s25] =	ssyncadd.s32 $0xFFFFFFB0  }
0x5e: {  	[tilespmem:s29], [sflag:$0x1] =	stream.indirect.gather [hbm4b:s4+s28], $0x80, s3, s28, $0xb8;
	[tilespmem:$0x18980] =	vst v63  }
0x5f: {  	_ =	swait.ge [sflag:s30], $0x2800  }
0x60: {  	[sflag:s30] =	ssyncset.done $0x0  }
0x61: {  	[sflag:s30] =	ssyncadd.s32 $0xFFFFD800  }
0x62: {  	[spmem:s2] =	stream.indirect.scatter.add.f32 [tilespmem:s29], [sflag:$0x2], $0x80, s26, s28, $0xb8;
	[tilespmem:$0x18980] =	vst v63  }
0x63: {  	_ =	swait.ge [sflag:s25], $0x2800  }
0x64: {  	s5 =	simm.s32 $0x14;
	s0 =	simm.s32 $0xA;
	[sflag:s25] =	ssyncset.done $0x0  }
.LBB2_4:
0x65: {  	s14 =	sadd.s32 s0, s23  }
0x66: {  	[sflag:s25] =	ssyncadd.s32 $0xFFFFD800;
	s15 =	smov.u32 s5;
	s16 =	sadd.s32 $0xA, s5  }
0x67: {  	[tilespmem:s3], [sflag:$0x2] =	stream.linear.gather [hbm4b:s14+s3], $0x50, $0x38;
	[tilespmem:$0x18980] =	vst v63  }
0x68: {  	p1 =	sne.s32 s5, $0x4D8;
	_ =	swait.ge [sflag:s25], $0x50  }
0x69: {  	[sflag:s25] =	ssyncset.done $0x0  }
0x6a: {  	s5 =	sadd.s32 s0, s22;
	s0 =	smov.u32 s15;
	[sflag:s25] =	ssyncadd.s32 $0xFFFFFFB0  }
0x6b: {  	[tilespmem:s26], [sflag:$0x2] =	stream.linear.gather [hbm4b:s5+s3], $0x50, $0x38;
	[tilespmem:$0x18980] =	vst v63  }
0x6c: {  	_ =	swait.ge [sflag:s25], $0x50  }
0x6d: {  	[sflag:s25] =	ssyncset.done $0x0  }
0x6e: {  	[sflag:s25] =	ssyncadd.s32 $0xFFFFFFB0  }
0x6f: {  	[tilespmem:s29], [sflag:$0x1] =	stream.indirect.gather [hbm4b:s4+s28], $0x80, s3, s28, $0xb8;
	[tilespmem:$0x18980] =	vst v63  }
0x70: {  	_ =	swait.ge [sflag:s30], $0x2800  }
.Ltmp1:
0x71: {  	[sflag:s30] =	ssyncset.done $0x0;
	(pc) =	sbr.rel @p1 .LBB2_4-.Ltmp1, $4  }
0x72: {  	[sflag:s30] =	ssyncadd.s32 $0xFFFFD800  }
0x73: {  	[spmem:s2] =	stream.indirect.scatter.add.f32 [tilespmem:s29], [sflag:$0x2], $0x80, s26, s28, $0xb8;
	[tilespmem:$0x18980] =	vst v63  }
0x74: {  	_ =	swait.ge [sflag:s25], $0x2800  }
0x75: {  	s5 =	smov.u32 s16;
	[sflag:s25] =	ssyncset.done $0x0  }
0x76: {  	s5 =	sadd.s32 s0, s23;
	[sflag:s25] =	ssyncadd.s32 $0xFFFFD800  }
0x77: {  	[tilespmem:s3], [sflag:$0x2] =	stream.linear.gather [hbm4b:s5+s3], $0x50, $0x38;
	[tilespmem:$0x18980] =	vst v63  }
0x78: {  	_ =	swait.ge [sflag:s25], $0x50  }
0x79: {  	[sflag:s25] =	ssyncset.done $0x0  }
0x7a: {  	s16 =	sadd.s32 s0, s22;
	[sflag:s25] =	ssyncadd.s32 $0xFFFFFFB0  }
0x7b: {  	[tilespmem:s26], [sflag:$0x2] =	stream.linear.gather [hbm4b:s16+s3], $0x50, $0x38;
	[tilespmem:$0x18980] =	vst v63  }
0x7c: {  	_ =	swait.ge [sflag:s25], $0x50  }
0x7d: {  	[sflag:s25] =	ssyncset.done $0x0  }
0x7e: {  	[sflag:s25] =	ssyncadd.s32 $0xFFFFFFB0  }
0x7f: {  	[tilespmem:s29], [sflag:$0x1] =	stream.indirect.gather [hbm4b:s4+s28], $0x80, s3, s28, $0xb8;
	[tilespmem:$0x18980] =	vst v63  }
0x80: {  	_ =	swait.ge [sflag:s30], $0x2800  }
0x81: {  	[sflag:s30] =	ssyncset.done $0x0  }
0x82: {  	[sflag:s30] =	ssyncadd.s32 $0xFFFFD800  }
0x83: {  	[spmem:s2] =	stream.indirect.scatter.add.f32 [tilespmem:s29], [sflag:$0x2], $0x80, s26, s28, $0xb8;
	[tilespmem:$0x18980] =	vst v63  }
0x84: {  	_ =	swait.ge [sflag:s25], $0x2800  }
0x85: {  	[sflag:s25] =	ssyncset.done $0x0  }
0x86: {  	[sflag:s25] =	ssyncadd.s32 $0xFFFFD800  }
0x87: {  	[bflag:$0x0] =	sbarrier.arrive $0xFFFF  }
0x88: {  	[tilespmem:s24], [sflag:$0x3] =	stream.linear.gather [spmem:s6], $0x2800, $0x38;
	[tilespmem:$0x18980] =	vst v63  }
0x89: {  	_ =	swait.ge [sflag:s31], $0x2800  }
0x8a: {  	[sflag:s31] =	ssyncset.done $0x0  }
0x8b: {  	s5 =	rddreg [dreg:$0x4];
	[sflag:s31] =	ssyncadd.s32 $0xFFFFD800  }
0x8c: {  	[hbm4b:s5+s3] =	stream.linear.scatter [tilespmem:s24], [sflag:$0x2], $0x2800, $0x38;
	[tilespmem:$0x18980] =	vst v63  }
0x8d: {  	_ =	swait.ge [sflag:s25], $0x2800  }
0x8e: {  	[sflag:s25] =	ssyncset.done $0x0  }
0x8f: {  	[sflag:s25] =	ssyncadd.s32 $0xFFFFD800  }
0x90: {  	[tilespmem:s24], [sflag:$0x3] =	stream.linear.gather [spmem:s7], $0x2800, $0x38;
	[tilespmem:$0x18980] =	vst v63  }
0x91: {  	_ =	swait.ge [sflag:s31], $0x2800  }
0x92: {  	[sflag:s31] =	ssyncset.done $0x0  }
0x93: {  	s14 =	rddreg [dreg:$0x5];
	[sflag:s31] =	ssyncadd.s32 $0xFFFFD800  }
0x94: {  	[hbm4b:s14+s3] =	stream.linear.scatter [tilespmem:s24], [sflag:$0x2], $0x2800, $0x38;
	[tilespmem:$0x18980] =	vst v63  }
0x95: {  	_ =	swait.ge [sflag:s25], $0x2800  }
0x96: {  	[sflag:s25] =	ssyncset.done $0x0  }
0x97: {  	[sflag:s25] =	ssyncadd.s32 $0xFFFFD800  }
0x98: {  	[tilespmem:s24], [sflag:$0x3] =	stream.linear.gather [spmem:s8], $0x2800, $0x38;
	[tilespmem:$0x18980] =	vst v63  }
0x99: {  	_ =	swait.ge [sflag:s31], $0x2800  }
0x9a: {  	[sflag:s31] =	ssyncset.done $0x0  }
0x9b: {  	s15 =	rddreg [dreg:$0x6];
	[sflag:s31] =	ssyncadd.s32 $0xFFFFD800  }
0x9c: {  	[hbm4b:s15+s3] =	stream.linear.scatter [tilespmem:s24], [sflag:$0x2], $0x2800, $0x38;
	[tilespmem:$0x18980] =	vst v63  }
0x9d: {  	_ =	swait.ge [sflag:s25], $0x2800  }
0x9e: {  	[sflag:s25] =	ssyncset.done $0x0  }
0x9f: {  	[sflag:s25] =	ssyncadd.s32 $0xFFFFD800  }
0xa0: {  	[tilespmem:s24], [sflag:$0x3] =	stream.linear.gather [spmem:s9], $0x2800, $0x38;
	[tilespmem:$0x18980] =	vst v63  }
0xa1: {  	_ =	swait.ge [sflag:s31], $0x2800  }
0xa2: {  	[sflag:s31] =	ssyncset.done $0x0  }
0xa3: {  	[sflag:s31] =	ssyncadd.s32 $0xFFFFD800  }
0xa4: {  	[hbm4b:s17+s3] =	stream.linear.scatter [tilespmem:s24], [sflag:$0x2], $0x2800, $0x38;
	[tilespmem:$0x18980] =	vst v63  }
0xa5: {  	_ =	swait.ge [sflag:s25], $0x2800  }
0xa6: {  	[sflag:s25] =	ssyncset.done $0x0  }
0xa7: {  	[sflag:s25] =	ssyncadd.s32 $0xFFFFD800  }
0xa8: {  	[tilespmem:s24], [sflag:$0x3] =	stream.linear.gather [spmem:s10], $0x2800, $0x38;
	[tilespmem:$0x18980] =	vst v63  }
0xa9: {  	_ =	swait.ge [sflag:s31], $0x2800  }
0xaa: {  	[sflag:s31] =	ssyncset.done $0x0  }
0xab: {  	[sflag:s31] =	ssyncadd.s32 $0xFFFFD800  }
0xac: {  	[hbm4b:s18+s3] =	stream.linear.scatter [tilespmem:s24], [sflag:$0x2], $0x2800, $0x38;
	[tilespmem:$0x18980] =	vst v63  }
0xad: {  	_ =	swait.ge [sflag:s25], $0x2800  }
0xae: {  	[sflag:s25] =	ssyncset.done $0x0  }
0xaf: {  	[sflag:s25] =	ssyncadd.s32 $0xFFFFD800  }
0xb0: {  	[tilespmem:s24], [sflag:$0x3] =	stream.linear.gather [spmem:s11], $0x2800, $0x38;
	[tilespmem:$0x18980] =	vst v63  }
0xb1: {  	_ =	swait.ge [sflag:s31], $0x2800  }
0xb2: {  	[sflag:s31] =	ssyncset.done $0x0  }
0xb3: {  	[sflag:s31] =	ssyncadd.s32 $0xFFFFD800  }
0xb4: {  	[hbm4b:s19+s3] =	stream.linear.scatter [tilespmem:s24], [sflag:$0x2], $0x2800, $0x38;
	[tilespmem:$0x18980] =	vst v63  }
0xb5: {  	_ =	swait.ge [sflag:s25], $0x2800  }
0xb6: {  	[sflag:s25] =	ssyncset.done $0x0  }
0xb7: {  	[sflag:s25] =	ssyncadd.s32 $0xFFFFD800  }
0xb8: {  	[tilespmem:s24], [sflag:$0x3] =	stream.linear.gather [spmem:s12], $0x2800, $0x38;
	[tilespmem:$0x18980] =	vst v63  }
0xb9: {  	_ =	swait.ge [sflag:s31], $0x2800  }
0xba: {  	[sflag:s31] =	ssyncset.done $0x0  }
0xbb: {  	[sflag:s31] =	ssyncadd.s32 $0xFFFFD800  }
0xbc: {  	[hbm4b:s20+s3] =	stream.linear.scatter [tilespmem:s24], [sflag:$0x2], $0x2800, $0x38;
	[tilespmem:$0x18980] =	vst v63  }
0xbd: {  	_ =	swait.ge [sflag:s25], $0x2800  }
0xbe: {  	[sflag:s25] =	ssyncset.done $0x0  }
0xbf: {  	s0 =	simm.s32 @!p0 $0x2900;
	s5 =	simm.s32 @!p0 $0x3;
	[sflag:s25] =	ssyncadd.s32 $0xFFFFD800  }
0xc0: {  	[tilespmem:s0], [sflag:$0x3] =	stream.linear.gather @!p0 [spmem:s13], $0x2800, $0x38;
	[tilespmem:$0x18980] =	vst v63  }
0xc1: {  	_ =	swait.ge @!p0 [sflag:s5], $0x2800  }
0xc2: {  	[sflag:s5] =	ssyncset.done @!p0 $0x0  }
0xc3: {  	[sflag:s5] =	ssyncadd.s32 @!p0 $0xFFFFD800;
	s5 =	simm.s32 @!p0 $0x0  }
0xc4: {  	[hbm4b:s21+s5] =	stream.linear.scatter @!p0 [tilespmem:s0], [sflag:$0x2], $0x2800, $0x38;
	[tilespmem:$0x18980] =	vst v63  }
0xc5: {  	s0 =	simm.s32 @!p0 $0x2  }
0xc6: {  	_ =	swait.ge @!p0 [sflag:s0], $0x2800  }
0xc7: {  	s1 =	sadd.s32 $0x1, s1;
	s16 =	rddreg [dreg:$0x3]  }
0xc8: {  	p1 =	sne.s32 s1, s16  }
.Ltmp2:
0xc9: {  	_ = 	snop;
	(pc) =	sbr.rel @p1 .LBB2_1-.Ltmp2, $3  }
0xca: {  	_ =	sdelay $0x1  }
0xcb: {  	[sflag:s0] =	ssyncset.done @!p0 $0x0  }
0xcc: {  	[sflag:s0] =	ssyncadd.s32 @!p0 $0xFFFFD800  }
0xcd: {  	_ =	sfence.sel $0x180000  }
0xce: {  	[bflag:$0x0] =	sbarrier.arrive $0xFFFF  }
0xcf: {  	_ =	strace $0x9000004A  }
0xd0: {  	s0 =	stileid.u32;
	[bflag:$0x2] =	sbarrier.arrive $0xFFFF  }
0xd1: {  	p0 =	sne.s32 s0, $0x0;
	s0 =	rddreg [dreg:$0x2]  }
0xd2: {  	s0 =	sadd.s32 @!p0 $0x100000, s0  }
0xd3: {  	[sflag:s0] =	ssyncadd.tile.s32 @!p0 $0x1;
	_ =	shalt  }
.Lfunc_end2:
_tile_overlayer_lowered:
.L_overlay_start_2:
0xd4: {  	(tag) =	ssettag $0x2  }
0xd5: {  	s0 =	rddreg [dreg:$0x0];
	s2 =	stileid.u32  }
0xd6: {  	s1 =	rddreg [dreg:$0x1];
	p0 =	sne.s32 s2, $0x0  }
0xd7: {  	s3 =	rddreg [dreg:$0x2];
	[bflag:$0x3] =	sbarrier.arrive $0xFFFF;
	s2 =	simm.s32 @!p0 $0x1C02  }
0xd8: {  	[timem:s3], [sflag:s2] =	dma.local @!p0 [hbm:s0], s1  }
0xd9: {  	s0 =	simm.s32 @!p0 $0x2  }
0xda: {  	_ =	swait.ge @!p0 [sflag:s0], s1  }
0xdb: {  	s1 =	ssub.s32 @!p0 $0x0, s1;
	[sflag:s0] =	ssyncset.done @!p0 $0x0  }
0xdc: {  	[sflag:s0] =	ssyncadd.s32 @!p0 s1  }
0xdd: {  	[bflag:$0x3] =	sbarrier.arrive $0xFFFF  }
0xde: {  	_ =	shalt  }

</sc_bundles>
